<compile_context>
chip_gen: v7x
topology: tpu7x:2x2x1
jax: 0.10.2.dev20260603
libtpu: 0.0.44.dev20260713+nightly
codegen_flags: <defaults>
</compile_context>

<pallas_src>
import functools

import jax
import jax.numpy as jnp
from jax import lax
from jax.experimental import pallas as pl
from jax.experimental.pallas import tpu as pltpu
from jax.experimental.pallas import tpu_sc as plsc

_BATCH = 16384
_HIST = 50
_F = 32

_NC = 2
_NS = 16
_NW = _NC * _NS
_EPW = _BATCH // _NW
_CB = 16
_NBUF = 4
_NCHUNK = _EPW // _CB
_NGROUP = _NCHUNK // _NBUF


def _make_gather():
    mesh = plsc.VectorSubcoreMesh(core_axis_name="c", subcore_axis_name="s")

    @functools.partial(
        pl.kernel,
        mesh=mesh,
        out_type=jax.ShapeDtypeStruct((_BATCH, _HIST, _F), jnp.float32),
        scratch_types=[
            pltpu.VMEM((_EPW, _HIST), jnp.int32),
            pltpu.VMEM((_NBUF, _CB, _HIST, _F), jnp.float32),
            pltpu.SemaphoreType.DMA((_NBUF,)),
            pltpu.SemaphoreType.DMA((_NBUF,)),
        ],
        compiler_params=pltpu.CompilerParams(use_tc_tiling_on_sc=False),
    )
    def gather_kernel(table_hbm, idx_hbm, out_hbm, idx_v, rows_v, gsem, wsem):
        wid = lax.axis_index("s") * _NC + lax.axis_index("c")
        ebase = wid * _EPW
        pltpu.sync_copy(idx_hbm.at[pl.ds(ebase, _EPW), :], idx_v)

        def group(g, carry):
            e0 = g * (_NBUF * _CB)
            for b in range(_NBUF):

                @pl.when(g > 0)
                def _drain(b=b):
                    pltpu.make_async_copy(
                        rows_v.at[b], out_hbm.at[pl.ds(ebase, _CB)], wsem.at[b]
                    ).wait()

                def fire(k, c, b=b):
                    e = e0 + b * _CB + k
                    pltpu.async_copy(
                        table_hbm.at[idx_v.at[e]], rows_v.at[b, k], gsem.at[b]
                    )
                    return c

                lax.fori_loop(0, _CB, fire, 0)
            for b in range(_NBUF):

                def drain_g(k, c, b=b):
                    e = e0 + b * _CB + k
                    pltpu.make_async_copy(
                        table_hbm.at[idx_v.at[e]], rows_v.at[b, k], gsem.at[b]
                    ).wait()
                    return c

                lax.fori_loop(0, _CB, drain_g, 0)
                pltpu.async_copy(
                    rows_v.at[b],
                    out_hbm.at[pl.ds(ebase + e0 + b * _CB, _CB)],
                    wsem.at[b],
                )
            return carry

        lax.fori_loop(0, _NGROUP, group, 0)
        for b in range(_NBUF):
            pltpu.make_async_copy(
                rows_v.at[b], out_hbm.at[pl.ds(ebase, _CB)], wsem.at[b]
            ).wait()

    return gather_kernel


_gather = _make_gather()


def kernel(inputs, embedding):
    return _gather(embedding, inputs.astype(jnp.int32))

# --- scband reference (transcript-rebuilt; emitter-appended) ---
"""Pipeline reference for scband-embed-53867479827169 (READ-ONLY COPY).

The authoritative reference and input builder live on the scoring server;
editing this copy changes nothing except your own understanding.
"""

import jax, jax.numpy as jnp
import numpy as np

NUM_EMBEDDINGS = 1000000
FEATURES = 32
BATCH = 16384
HIST = 50


def setup_inputs(seed: int = 0) -> dict:
    key = jax.random.key(seed)
    k_idx, k_emb = jax.random.split(key)
    inputs = jax.random.randint(k_idx, (BATCH, HIST), 0, NUM_EMBEDDINGS, dtype=jnp.int64 if jax.config.jax_enable_x64 else jnp.int32)
    embedding = jax.random.normal(k_emb, (NUM_EMBEDDINGS, FEATURES), dtype=jnp.float32) * 1.0
    return {"inputs": inputs, "embedding": embedding}


def reference(inputs, embedding):
    # mode == 'input': gather rows of the embedding table
    return jnp.take(embedding, inputs, axis=0)

if __name__ == "__main__":
    import jax
    _d = setup_inputs()
    print(jax.jit(kernel)(*tuple(_d.values())))

</pallas_src>

<mosaic_0001>
#map = affine_map<(d0, d1) -> (0, 0)>
#map1 = affine_map<(d0, d1) -> (0, 0, 0)>
module attributes {stable_mosaic.version = 14 : i64} {
  func.func @gather_kernel(%arg0: i32, %arg1: i32, %arg2: memref<1000000x32xf32, #tpu.memory_space<hbm>>, %arg3: memref<16384x50xi32, #tpu.memory_space<hbm>>, %arg4: memref<16384x50x32xf32, #tpu.memory_space<hbm>>, %arg5: memref<512x50xi32, #tpu.memory_space<vmem>>, %arg6: memref<4x16x50x32xf32, #tpu.memory_space<vmem>>, %arg7: memref<4x!tpu.dma_semaphore, #tpu.memory_space<semaphore_mem>>, %arg8: memref<4x!tpu.dma_semaphore, #tpu.memory_space<semaphore_mem>>) attributes {dimension_semantics = [#tpu.dimension_semantics<core_parallel>, #tpu.dimension_semantics<subcore_parallel>], iteration_bounds = array<i64: 2, 16>, scalar_prefetch = 0 : i64, scratch_operands = 4 : i64, tpu.core_type = #tpu.core_type<sc_vector_subcore>, window_params = [{transform_indices = #map}, {transform_indices = #map}, {transform_indices = #map1}]} {
    %mul3A = arith.constant 2 : i32
    %mul3A_0 = arith.muli %arg1, %mul3A : i32
    %add3A = arith.addi %mul3A_0, %arg0 : i32
    %mul3A_1 = arith.constant 512 : i32
    %mul3A_2 = arith.muli %add3A, %mul3A_1 : i32
    "tpu.region"() ({
      %run_scoped3A = tpu.sem_alloc : memref<!tpu.dma_semaphore, #tpu.memory_space<semaphore_mem>>
      %dma_start3A = arith.constant 0 : i32
      %dma_start3A_87 = tpu.memref_slice %arg3[%mul3A_2, %dma_start3A] : memref<16384x50xi32, #tpu.memory_space<hbm>> -> memref<512x50xi32, #tpu.memory_space<hbm>>
      %dma_start3A_88 = arith.constant 0 : i32
      %dma_start3A_89 = tpu.memref_slice %arg3[%mul3A_2, %dma_start3A_88] : memref<16384x50xi32, #tpu.memory_space<hbm>> -> memref<512x50xi32, #tpu.memory_space<hbm>>
      tpu.enqueue_dma source(%dma_start3A_89 : memref<512x50xi32, #tpu.memory_space<hbm>>) target(%arg5 : memref<512x50xi32, #tpu.memory_space<vmem>>) target_semaphore(%run_scoped3A : memref<!tpu.dma_semaphore, #tpu.memory_space<semaphore_mem>>)
      %dma_wait3A_90 = arith.constant 0 : i32
      %dma_wait3A_91 = tpu.memref_slice %arg3[%mul3A_2, %dma_wait3A_90] : memref<16384x50xi32, #tpu.memory_space<hbm>> -> memref<512x50xi32, #tpu.memory_space<hbm>>
      %dma_wait3A_92 = arith.constant 0 : i32
      %dma_wait3A_93 = tpu.memref_slice %arg3[%mul3A_2, %dma_wait3A_92] : memref<16384x50xi32, #tpu.memory_space<hbm>> -> memref<512x50xi32, #tpu.memory_space<hbm>>
      tpu.wait_dma2 semaphore(%run_scoped3A : memref<!tpu.dma_semaphore, #tpu.memory_space<semaphore_mem>>) src(%dma_wait3A_93 : memref<512x50xi32, #tpu.memory_space<hbm>>) dst(%arg5 : memref<512x50xi32, #tpu.memory_space<vmem>>)
      tpu.yield
    }) : () -> ()
    %scan3A = arith.constant 0 : i32
    %scan3A_3 = arith.constant 0 : i32
    %scan3A_4 = arith.constant 8 : i32
    %scan3A_5 = arith.addi %scan3A_3, %scan3A_4 : i32
    %scan3A_6 = arith.constant 1 : i32
    scf.for %scan3A_87 = %scan3A_3 to %scan3A_5 step %scan3A_6  : i32 {
      %mul3A_88 = arith.constant 64 : i32
      %mul3A_89 = arith.muli %scan3A_87, %mul3A_88 : i32
      %gt3A = arith.constant 0 : i32
      %gt3A_90 = arith.cmpi sgt, %scan3A_87, %gt3A : i32
      %convert_element_type3A = arith.extui %gt3A_90 : i1 to i32
      %cond3A = arith.constant 0 : i32
      %cond3A_91 = arith.cmpi ne, %convert_element_type3A, %cond3A : i32
      scf.if %cond3A_91 {
        %dma_wait3A_246 = arith.constant 0 : i32
        %dma_wait3A_247 = arith.constant 0 : i32
        %dma_wait3A_248 = arith.constant 0 : i32
        %dma_wait3A_249 = arith.constant 0 : i32
        %dma_wait3A_250 = arith.constant 0 : i32
        %dma_wait3A_251 = tpu.memref_slice %arg6[%dma_wait3A_246, %dma_wait3A_248, %dma_wait3A_249, %dma_wait3A_250] : memref<4x16x50x32xf32, #tpu.memory_space<vmem>> -> memref<1x16x50x32xf32, #tpu.memory_space<vmem>>
        %dma_wait3A_252 = tpu.memref_squeeze %dma_wait3A_251 : memref<1x16x50x32xf32, #tpu.memory_space<vmem>> -> memref<16x50x32xf32, #tpu.memory_space<vmem>>
        %dma_wait3A_253 = arith.constant 0 : i32
        %dma_wait3A_254 = arith.constant 0 : i32
        %dma_wait3A_255 = tpu.memref_slice %arg4[%mul3A_2, %dma_wait3A_253, %dma_wait3A_254] : memref<16384x50x32xf32, #tpu.memory_space<hbm>> -> memref<16x50x32xf32, #tpu.memory_space<hbm>>
        %dma_wait3A_256 = tpu.memref_slice %arg8[%dma_wait3A_247] : memref<4x!tpu.dma_semaphore, #tpu.memory_space<semaphore_mem>> -> memref<1x!tpu.dma_semaphore, #tpu.memory_space<semaphore_mem>>
        %dma_wait3A_257 = tpu.memref_squeeze %dma_wait3A_256 : memref<1x!tpu.dma_semaphore, #tpu.memory_space<semaphore_mem>> -> memref<!tpu.dma_semaphore, #tpu.memory_space<semaphore_mem>>
        %dma_wait3A_258 = arith.constant 0 : i32
        %dma_wait3A_259 = arith.constant 0 : i32
        %dma_wait3A_260 = tpu.memref_slice %arg4[%mul3A_2, %dma_wait3A_258, %dma_wait3A_259] : memref<16384x50x32xf32, #tpu.memory_space<hbm>> -> memref<16x50x32xf32, #tpu.memory_space<hbm>>
        %dma_wait3A_261 = arith.constant 0 : i32
        %dma_wait3A_262 = arith.constant 0 : i32
        %dma_wait3A_263 = arith.constant 0 : i32
        %dma_wait3A_264 = tpu.memref_slice %arg6[%dma_wait3A_246, %dma_wait3A_261, %dma_wait3A_262, %dma_wait3A_263] : memref<4x16x50x32xf32, #tpu.memory_space<vmem>> -> memref<1x16x50x32xf32, #tpu.memory_space<vmem>>
        %dma_wait3A_265 = tpu.memref_squeeze %dma_wait3A_264 : memref<1x16x50x32xf32, #tpu.memory_space<vmem>> -> memref<16x50x32xf32, #tpu.memory_space<vmem>>
        tpu.wait_dma2 semaphore(%dma_wait3A_257 : memref<!tpu.dma_semaphore, #tpu.memory_space<semaphore_mem>>) src(%dma_wait3A_265 : memref<16x50x32xf32, #tpu.memory_space<vmem>>) dst(%dma_wait3A_260 : memref<16x50x32xf32, #tpu.memory_space<hbm>>)
      } else {
      }
      %scan3A_92 = arith.constant 0 : i32
      %scan3A_93 = arith.constant 0 : i32
      %scan3A_94 = arith.constant 16 : i32
      %scan3A_95 = arith.addi %scan3A_93, %scan3A_94 : i32
      %scan3A_96 = arith.constant 1 : i32
      scf.for %scan3A_246 = %scan3A_93 to %scan3A_95 step %scan3A_96  : i32 {
        %add3A_247 = arith.constant 0 : i32
        %add3A_248 = arith.addi %mul3A_89, %add3A_247 : i32
        %add3A_249 = arith.addi %add3A_248, %scan3A_246 : i32
        %dma_start3A_250 = arith.constant 0 : i32
        %dma_start3A_251 = arith.constant 0 : i32
        %dma_start3A_252 = arith.constant 0 : i32
        %dma_start3A_253 = arith.constant 0 : i32
        %dma_start3A_254 = tpu.memref_slice %arg6[%dma_start3A_250, %scan3A_246, %dma_start3A_252, %dma_start3A_253] : memref<4x16x50x32xf32, #tpu.memory_space<vmem>> -> memref<1x1x50x32xf32, #tpu.memory_space<vmem>>
        %dma_start3A_255 = tpu.memref_squeeze %dma_start3A_254 : memref<1x1x50x32xf32, #tpu.memory_space<vmem>> -> memref<50x32xf32, #tpu.memory_space<vmem>>
        %dma_start3A_256 = arith.constant 0 : i32
        %dma_start3A_257 = tpu.memref_slice %arg5[%add3A_249, %dma_start3A_256] : memref<512x50xi32, #tpu.memory_space<vmem>> -> memref<1x50xi32, #tpu.memory_space<vmem>>
        %dma_start3A_258 = tpu.memref_squeeze %dma_start3A_257 : memref<1x50xi32, #tpu.memory_space<vmem>> -> memref<50xi32, #tpu.memory_space<vmem>>
        %dma_start3A_259 = arith.constant 0 : i32
        %dma_start3A_260 = arith.constant 0 : i32
        %dma_start3A_261 = tpu.memref_slice %arg2[%dma_start3A_259, %dma_start3A_260] : memref<1000000x32xf32, #tpu.memory_space<hbm>> -> memref<1000000x32xf32, #tpu.memory_space<hbm>>
        %dma_start3A_262 = tpu.memref_slice %arg7[%dma_start3A_251] : memref<4x!tpu.dma_semaphore, #tpu.memory_space<semaphore_mem>> -> memref<1x!tpu.dma_semaphore, #tpu.memory_space<semaphore_mem>>
        %dma_start3A_263 = tpu.memref_squeeze %dma_start3A_262 : memref<1x!tpu.dma_semaphore, #tpu.memory_space<semaphore_mem>> -> memref<!tpu.dma_semaphore, #tpu.memory_space<semaphore_mem>>
        tpu.enqueue_indirect_dma source(%dma_start3A_261 : memref<1000000x32xf32, #tpu.memory_space<hbm>>) target(%dma_start3A_255 : memref<50x32xf32, #tpu.memory_space<vmem>>) offsets(%dma_start3A_258 : memref<50xi32, #tpu.memory_space<vmem>>) semaphore(%dma_start3A_263 : memref<!tpu.dma_semaphore, #tpu.memory_space<semaphore_mem>>)
      }
      %scan3A_97 = arith.constant 16 : i32
      %gt3A_98 = arith.constant 0 : i32
      %gt3A_99 = arith.cmpi sgt, %scan3A_87, %gt3A_98 : i32
      %convert_element_type3A_100 = arith.extui %gt3A_99 : i1 to i32
      %cond3A_101 = arith.constant 0 : i32
      %cond3A_102 = arith.cmpi ne, %convert_element_type3A_100, %cond3A_101 : i32
      scf.if %cond3A_102 {
        %dma_wait3A_246 = arith.constant 1 : i32
        %dma_wait3A_247 = arith.constant 1 : i32
        %dma_wait3A_248 = arith.constant 0 : i32
        %dma_wait3A_249 = arith.constant 0 : i32
        %dma_wait3A_250 = arith.constant 0 : i32
        %dma_wait3A_251 = tpu.memref_slice %arg6[%dma_wait3A_246, %dma_wait3A_248, %dma_wait3A_249, %dma_wait3A_250] : memref<4x16x50x32xf32, #tpu.memory_space<vmem>> -> memref<1x16x50x32xf32, #tpu.memory_space<vmem>>
        %dma_wait3A_252 = tpu.memref_squeeze %dma_wait3A_251 : memref<1x16x50x32xf32, #tpu.memory_space<vmem>> -> memref<16x50x32xf32, #tpu.memory_space<vmem>>
        %dma_wait3A_253 = arith.constant 0 : i32
        %dma_wait3A_254 = arith.constant 0 : i32
        %dma_wait3A_255 = tpu.memref_slice %arg4[%mul3A_2, %dma_wait3A_253, %dma_wait3A_254] : memref<16384x50x32xf32, #tpu.memory_space<hbm>> -> memref<16x50x32xf32, #tpu.memory_space<hbm>>
        %dma_wait3A_256 = tpu.memref_slice %arg8[%dma_wait3A_247] : memref<4x!tpu.dma_semaphore, #tpu.memory_space<semaphore_mem>> -> memref<1x!tpu.dma_semaphore, #tpu.memory_space<semaphore_mem>>
        %dma_wait3A_257 = tpu.memref_squeeze %dma_wait3A_256 : memref<1x!tpu.dma_semaphore, #tpu.memory_space<semaphore_mem>> -> memref<!tpu.dma_semaphore, #tpu.memory_space<semaphore_mem>>
        %dma_wait3A_258 = arith.constant 0 : i32
        %dma_wait3A_259 = arith.constant 0 : i32
        %dma_wait3A_260 = tpu.memref_slice %arg4[%mul3A_2, %dma_wait3A_258, %dma_wait3A_259] : memref<16384x50x32xf32, #tpu.memory_space<hbm>> -> memref<16x50x32xf32, #tpu.memory_space<hbm>>
        %dma_wait3A_261 = arith.constant 0 : i32
        %dma_wait3A_262 = arith.constant 0 : i32
        %dma_wait3A_263 = arith.constant 0 : i32
        %dma_wait3A_264 = tpu.memref_slice %arg6[%dma_wait3A_246, %dma_wait3A_261, %dma_wait3A_262, %dma_wait3A_263] : memref<4x16x50x32xf32, #tpu.memory_space<vmem>> -> memref<1x16x50x32xf32, #tpu.memory_space<vmem>>
        %dma_wait3A_265 = tpu.memref_squeeze %dma_wait3A_264 : memref<1x16x50x32xf32, #tpu.memory_space<vmem>> -> memref<16x50x32xf32, #tpu.memory_space<vmem>>
        tpu.wait_dma2 semaphore(%dma_wait3A_257 : memref<!tpu.dma_semaphore, #tpu.memory_space<semaphore_mem>>) src(%dma_wait3A_265 : memref<16x50x32xf32, #tpu.memory_space<vmem>>) dst(%dma_wait3A_260 : memref<16x50x32xf32, #tpu.memory_space<hbm>>)
      } else {
      }
      %scan3A_103 = arith.constant 0 : i32
      %scan3A_104 = arith.constant 0 : i32
      %scan3A_105 = arith.constant 16 : i32
      %scan3A_106 = arith.addi %scan3A_104, %scan3A_105 : i32
      %scan3A_107 = arith.constant 1 : i32
      scf.for %scan3A_246 = %scan3A_104 to %scan3A_106 step %scan3A_107  : i32 {
        %add3A_247 = arith.constant 16 : i32
        %add3A_248 = arith.addi %mul3A_89, %add3A_247 : i32
        %add3A_249 = arith.addi %add3A_248, %scan3A_246 : i32
        %dma_start3A_250 = arith.constant 1 : i32
        %dma_start3A_251 = arith.constant 1 : i32
        %dma_start3A_252 = arith.constant 0 : i32
        %dma_start3A_253 = arith.constant 0 : i32
        %dma_start3A_254 = tpu.memref_slice %arg6[%dma_start3A_250, %scan3A_246, %dma_start3A_252, %dma_start3A_253] : memref<4x16x50x32xf32, #tpu.memory_space<vmem>> -> memref<1x1x50x32xf32, #tpu.memory_space<vmem>>
        %dma_start3A_255 = tpu.memref_squeeze %dma_start3A_254 : memref<1x1x50x32xf32, #tpu.memory_space<vmem>> -> memref<50x32xf32, #tpu.memory_space<vmem>>
        %dma_start3A_256 = arith.constant 0 : i32
        %dma_start3A_257 = tpu.memref_slice %arg5[%add3A_249, %dma_start3A_256] : memref<512x50xi32, #tpu.memory_space<vmem>> -> memref<1x50xi32, #tpu.memory_space<vmem>>
        %dma_start3A_258 = tpu.memref_squeeze %dma_start3A_257 : memref<1x50xi32, #tpu.memory_space<vmem>> -> memref<50xi32, #tpu.memory_space<vmem>>
        %dma_start3A_259 = arith.constant 0 : i32
        %dma_start3A_260 = arith.constant 0 : i32
        %dma_start3A_261 = tpu.memref_slice %arg2[%dma_start3A_259, %dma_start3A_260] : memref<1000000x32xf32, #tpu.memory_space<hbm>> -> memref<1000000x32xf32, #tpu.memory_space<hbm>>
        %dma_start3A_262 = tpu.memref_slice %arg7[%dma_start3A_251] : memref<4x!tpu.dma_semaphore, #tpu.memory_space<semaphore_mem>> -> memref<1x!tpu.dma_semaphore, #tpu.memory_space<semaphore_mem>>
        %dma_start3A_263 = tpu.memref_squeeze %dma_start3A_262 : memref<1x!tpu.dma_semaphore, #tpu.memory_space<semaphore_mem>> -> memref<!tpu.dma_semaphore, #tpu.memory_space<semaphore_mem>>
        tpu.enqueue_indirect_dma source(%dma_start3A_261 : memref<1000000x32xf32, #tpu.memory_space<hbm>>) target(%dma_start3A_255 : memref<50x32xf32, #tpu.memory_space<vmem>>) offsets(%dma_start3A_258 : memref<50xi32, #tpu.memory_space<vmem>>) semaphore(%dma_start3A_263 : memref<!tpu.dma_semaphore, #tpu.memory_space<semaphore_mem>>)
      }
      %scan3A_108 = arith.constant 16 : i32
      %gt3A_109 = arith.constant 0 : i32
      %gt3A_110 = arith.cmpi sgt, %scan3A_87, %gt3A_109 : i32
      %convert_element_type3A_111 = arith.extui %gt3A_110 : i1 to i32
      %cond3A_112 = arith.constant 0 : i32
      %cond3A_113 = arith.cmpi ne, %convert_element_type3A_111, %cond3A_112 : i32
      scf.if %cond3A_113 {
        %dma_wait3A_246 = arith.constant 2 : i32
        %dma_wait3A_247 = arith.constant 2 : i32
        %dma_wait3A_248 = arith.constant 0 : i32
        %dma_wait3A_249 = arith.constant 0 : i32
        %dma_wait3A_250 = arith.constant 0 : i32
        %dma_wait3A_251 = tpu.memref_slice %arg6[%dma_wait3A_246, %dma_wait3A_248, %dma_wait3A_249, %dma_wait3A_250] : memref<4x16x50x32xf32, #tpu.memory_space<vmem>> -> memref<1x16x50x32xf32, #tpu.memory_space<vmem>>
        %dma_wait3A_252 = tpu.memref_squeeze %dma_wait3A_251 : memref<1x16x50x32xf32, #tpu.memory_space<vmem>> -> memref<16x50x32xf32, #tpu.memory_space<vmem>>
        %dma_wait3A_253 = arith.constant 0 : i32
        %dma_wait3A_254 = arith.constant 0 : i32
        %dma_wait3A_255 = tpu.memref_slice %arg4[%mul3A_2, %dma_wait3A_253, %dma_wait3A_254] : memref<16384x50x32xf32, #tpu.memory_space<hbm>> -> memref<16x50x32xf32, #tpu.memory_space<hbm>>
        %dma_wait3A_256 = tpu.memref_slice %arg8[%dma_wait3A_247] : memref<4x!tpu.dma_semaphore, #tpu.memory_space<semaphore_mem>> -> memref<1x!tpu.dma_semaphore, #tpu.memory_space<semaphore_mem>>
        %dma_wait3A_257 = tpu.memref_squeeze %dma_wait3A_256 : memref<1x!tpu.dma_semaphore, #tpu.memory_space<semaphore_mem>> -> memref<!tpu.dma_semaphore, #tpu.memory_space<semaphore_mem>>
        %dma_wait3A_258 = arith.constant 0 : i32
        %dma_wait3A_259 = arith.constant 0 : i32
        %dma_wait3A_260 = tpu.memref_slice %arg4[%mul3A_2, %dma_wait3A_258, %dma_wait3A_259] : memref<16384x50x32xf32, #tpu.memory_space<hbm>> -> memref<16x50x32xf32, #tpu.memory_space<hbm>>
        %dma_wait3A_261 = arith.constant 0 : i32
        %dma_wait3A_262 = arith.constant 0 : i32
        %dma_wait3A_263 = arith.constant 0 : i32
        %dma_wait3A_264 = tpu.memref_slice %arg6[%dma_wait3A_246, %dma_wait3A_261, %dma_wait3A_262, %dma_wait3A_263] : memref<4x16x50x32xf32, #tpu.memory_space<vmem>> -> memref<1x16x50x32xf32, #tpu.memory_space<vmem>>
        %dma_wait3A_265 = tpu.memref_squeeze %dma_wait3A_264 : memref<1x16x50x32xf32, #tpu.memory_space<vmem>> -> memref<16x50x32xf32, #tpu.memory_space<vmem>>
        tpu.wait_dma2 semaphore(%dma_wait3A_257 : memref<!tpu.dma_semaphore, #tpu.memory_space<semaphore_mem>>) src(%dma_wait3A_265 : memref<16x50x32xf32, #tpu.memory_space<vmem>>) dst(%dma_wait3A_260 : memref<16x50x32xf32, #tpu.memory_space<hbm>>)
      } else {
      }
      %scan3A_114 = arith.constant 0 : i32
      %scan3A_115 = arith.constant 0 : i32
      %scan3A_116 = arith.constant 16 : i32
      %scan3A_117 = arith.addi %scan3A_115, %scan3A_116 : i32
      %scan3A_118 = arith.constant 1 : i32
      scf.for %scan3A_246 = %scan3A_115 to %scan3A_117 step %scan3A_118  : i32 {
        %add3A_247 = arith.constant 32 : i32
        %add3A_248 = arith.addi %mul3A_89, %add3A_247 : i32
        %add3A_249 = arith.addi %add3A_248, %scan3A_246 : i32
        %dma_start3A_250 = arith.constant 2 : i32
        %dma_start3A_251 = arith.constant 2 : i32
        %dma_start3A_252 = arith.constant 0 : i32
        %dma_start3A_253 = arith.constant 0 : i32
        %dma_start3A_254 = tpu.memref_slice %arg6[%dma_start3A_250, %scan3A_246, %dma_start3A_252, %dma_start3A_253] : memref<4x16x50x32xf32, #tpu.memory_space<vmem>> -> memref<1x1x50x32xf32, #tpu.memory_space<vmem>>
        %dma_start3A_255 = tpu.memref_squeeze %dma_start3A_254 : memref<1x1x50x32xf32, #tpu.memory_space<vmem>> -> memref<50x32xf32, #tpu.memory_space<vmem>>
        %dma_start3A_256 = arith.constant 0 : i32
        %dma_start3A_257 = tpu.memref_slice %arg5[%add3A_249, %dma_start3A_256] : memref<512x50xi32, #tpu.memory_space<vmem>> -> memref<1x50xi32, #tpu.memory_space<vmem>>
        %dma_start3A_258 = tpu.memref_squeeze %dma_start3A_257 : memref<1x50xi32, #tpu.memory_space<vmem>> -> memref<50xi32, #tpu.memory_space<vmem>>
        %dma_start3A_259 = arith.constant 0 : i32
        %dma_start3A_260 = arith.constant 0 : i32
        %dma_start3A_261 = tpu.memref_slice %arg2[%dma_start3A_259, %dma_start3A_260] : memref<1000000x32xf32, #tpu.memory_space<hbm>> -> memref<1000000x32xf32, #tpu.memory_space<hbm>>
        %dma_start3A_262 = tpu.memref_slice %arg7[%dma_start3A_251] : memref<4x!tpu.dma_semaphore, #tpu.memory_space<semaphore_mem>> -> memref<1x!tpu.dma_semaphore, #tpu.memory_space<semaphore_mem>>
        %dma_start3A_263 = tpu.memref_squeeze %dma_start3A_262 : memref<1x!tpu.dma_semaphore, #tpu.memory_space<semaphore_mem>> -> memref<!tpu.dma_semaphore, #tpu.memory_space<semaphore_mem>>
        tpu.enqueue_indirect_dma source(%dma_start3A_261 : memref<1000000x32xf32, #tpu.memory_space<hbm>>) target(%dma_start3A_255 : memref<50x32xf32, #tpu.memory_space<vmem>>) offsets(%dma_start3A_258 : memref<50xi32, #tpu.memory_space<vmem>>) semaphore(%dma_start3A_263 : memref<!tpu.dma_semaphore, #tpu.memory_space<semaphore_mem>>)
      }
      %scan3A_119 = arith.constant 16 : i32
      %gt3A_120 = arith.constant 0 : i32
      %gt3A_121 = arith.cmpi sgt, %scan3A_87, %gt3A_120 : i32
      %convert_element_type3A_122 = arith.extui %gt3A_121 : i1 to i32
      %cond3A_123 = arith.constant 0 : i32
      %cond3A_124 = arith.cmpi ne, %convert_element_type3A_122, %cond3A_123 : i32
      scf.if %cond3A_124 {
        %dma_wait3A_246 = arith.constant 3 : i32
        %dma_wait3A_247 = arith.constant 3 : i32
        %dma_wait3A_248 = arith.constant 0 : i32
        %dma_wait3A_249 = arith.constant 0 : i32
        %dma_wait3A_250 = arith.constant 0 : i32
        %dma_wait3A_251 = tpu.memref_slice %arg6[%dma_wait3A_246, %dma_wait3A_248, %dma_wait3A_249, %dma_wait3A_250] : memref<4x16x50x32xf32, #tpu.memory_space<vmem>> -> memref<1x16x50x32xf32, #tpu.memory_space<vmem>>
        %dma_wait3A_252 = tpu.memref_squeeze %dma_wait3A_251 : memref<1x16x50x32xf32, #tpu.memory_space<vmem>> -> memref<16x50x32xf32, #tpu.memory_space<vmem>>
        %dma_wait3A_253 = arith.constant 0 : i32
        %dma_wait3A_254 = arith.constant 0 : i32
        %dma_wait3A_255 = tpu.memref_slice %arg4[%mul3A_2, %dma_wait3A_253, %dma_wait3A_254] : memref<16384x50x32xf32, #tpu.memory_space<hbm>> -> memref<16x50x32xf32, #tpu.memory_space<hbm>>
        %dma_wait3A_256 = tpu.memref_slice %arg8[%dma_wait3A_247] : memref<4x!tpu.dma_semaphore, #tpu.memory_space<semaphore_mem>> -> memref<1x!tpu.dma_semaphore, #tpu.memory_space<semaphore_mem>>
        %dma_wait3A_257 = tpu.memref_squeeze %dma_wait3A_256 : memref<1x!tpu.dma_semaphore, #tpu.memory_space<semaphore_mem>> -> memref<!tpu.dma_semaphore, #tpu.memory_space<semaphore_mem>>
        %dma_wait3A_258 = arith.constant 0 : i32
        %dma_wait3A_259 = arith.constant 0 : i32
        %dma_wait3A_260 = tpu.memref_slice %arg4[%mul3A_2, %dma_wait3A_258, %dma_wait3A_259] : memref<16384x50x32xf32, #tpu.memory_space<hbm>> -> memref<16x50x32xf32, #tpu.memory_space<hbm>>
        %dma_wait3A_261 = arith.constant 0 : i32
        %dma_wait3A_262 = arith.constant 0 : i32
        %dma_wait3A_263 = arith.constant 0 : i32
        %dma_wait3A_264 = tpu.memref_slice %arg6[%dma_wait3A_246, %dma_wait3A_261, %dma_wait3A_262, %dma_wait3A_263] : memref<4x16x50x32xf32, #tpu.memory_space<vmem>> -> memref<1x16x50x32xf32, #tpu.memory_space<vmem>>
        %dma_wait3A_265 = tpu.memref_squeeze %dma_wait3A_264 : memref<1x16x50x32xf32, #tpu.memory_space<vmem>> -> memref<16x50x32xf32, #tpu.memory_space<vmem>>
        tpu.wait_dma2 semaphore(%dma_wait3A_257 : memref<!tpu.dma_semaphore, #tpu.memory_space<semaphore_mem>>) src(%dma_wait3A_265 : memref<16x50x32xf32, #tpu.memory_space<vmem>>) dst(%dma_wait3A_260 : memref<16x50x32xf32, #tpu.memory_space<hbm>>)
      } else {
      }
      %scan3A_125 = arith.constant 0 : i32
      %scan3A_126 = arith.constant 0 : i32
      %scan3A_127 = arith.constant 16 : i32
      %scan3A_128 = arith.addi %scan3A_126, %scan3A_127 : i32
      %scan3A_129 = arith.constant 1 : i32
      scf.for %scan3A_246 = %scan3A_126 to %scan3A_128 step %scan3A_129  : i32 {
        %add3A_247 = arith.constant 48 : i32
        %add3A_248 = arith.addi %mul3A_89, %add3A_247 : i32
        %add3A_249 = arith.addi %add3A_248, %scan3A_246 : i32
        %dma_start3A_250 = arith.constant 3 : i32
        %dma_start3A_251 = arith.constant 3 : i32
        %dma_start3A_252 = arith.constant 0 : i32
        %dma_start3A_253 = arith.constant 0 : i32
        %dma_start3A_254 = tpu.memref_slice %arg6[%dma_start3A_250, %scan3A_246, %dma_start3A_252, %dma_start3A_253] : memref<4x16x50x32xf32, #tpu.memory_space<vmem>> -> memref<1x1x50x32xf32, #tpu.memory_space<vmem>>
        %dma_start3A_255 = tpu.memref_squeeze %dma_start3A_254 : memref<1x1x50x32xf32, #tpu.memory_space<vmem>> -> memref<50x32xf32, #tpu.memory_space<vmem>>
        %dma_start3A_256 = arith.constant 0 : i32
        %dma_start3A_257 = tpu.memref_slice %arg5[%add3A_249, %dma_start3A_256] : memref<512x50xi32, #tpu.memory_space<vmem>> -> memref<1x50xi32, #tpu.memory_space<vmem>>
        %dma_start3A_258 = tpu.memref_squeeze %dma_start3A_257 : memref<1x50xi32, #tpu.memory_space<vmem>> -> memref<50xi32, #tpu.memory_space<vmem>>
        %dma_start3A_259 = arith.constant 0 : i32
        %dma_start3A_260 = arith.constant 0 : i32
        %dma_start3A_261 = tpu.memref_slice %arg2[%dma_start3A_259, %dma_start3A_260] : memref<1000000x32xf32, #tpu.memory_space<hbm>> -> memref<1000000x32xf32, #tpu.memory_space<hbm>>
        %dma_start3A_262 = tpu.memref_slice %arg7[%dma_start3A_251] : memref<4x!tpu.dma_semaphore, #tpu.memory_space<semaphore_mem>> -> memref<1x!tpu.dma_semaphore, #tpu.memory_space<semaphore_mem>>
        %dma_start3A_263 = tpu.memref_squeeze %dma_start3A_262 : memref<1x!tpu.dma_semaphore, #tpu.memory_space<semaphore_mem>> -> memref<!tpu.dma_semaphore, #tpu.memory_space<semaphore_mem>>
        tpu.enqueue_indirect_dma source(%dma_start3A_261 : memref<1000000x32xf32, #tpu.memory_space<hbm>>) target(%dma_start3A_255 : memref<50x32xf32, #tpu.memory_space<vmem>>) offsets(%dma_start3A_258 : memref<50xi32, #tpu.memory_space<vmem>>) semaphore(%dma_start3A_263 : memref<!tpu.dma_semaphore, #tpu.memory_space<semaphore_mem>>)
      }
      %scan3A_130 = arith.constant 16 : i32
      %scan3A_131 = arith.constant 0 : i32
      %scan3A_132 = arith.constant 0 : i32
      %scan3A_133 = arith.constant 16 : i32
      %scan3A_134 = arith.addi %scan3A_132, %scan3A_133 : i32
      %scan3A_135 = arith.constant 1 : i32
      scf.for %scan3A_246 = %scan3A_132 to %scan3A_134 step %scan3A_135  : i32 {
        %add3A_247 = arith.constant 0 : i32
        %add3A_248 = arith.addi %mul3A_89, %add3A_247 : i32
        %add3A_249 = arith.addi %add3A_248, %scan3A_246 : i32
        %dma_wait3A_250 = arith.constant 0 : i32
        %dma_wait3A_251 = arith.constant 0 : i32
        %dma_wait3A_252 = arith.constant 0 : i32
        %dma_wait3A_253 = arith.constant 0 : i32
        %dma_wait3A_254 = tpu.memref_slice %arg6[%dma_wait3A_250, %scan3A_246, %dma_wait3A_252, %dma_wait3A_253] : memref<4x16x50x32xf32, #tpu.memory_space<vmem>> -> memref<1x1x50x32xf32, #tpu.memory_space<vmem>>
        %dma_wait3A_255 = tpu.memref_squeeze %dma_wait3A_254 : memref<1x1x50x32xf32, #tpu.memory_space<vmem>> -> memref<50x32xf32, #tpu.memory_space<vmem>>
        %dma_wait3A_256 = arith.constant 0 : i32
        %dma_wait3A_257 = tpu.memref_slice %arg5[%add3A_249, %dma_wait3A_256] : memref<512x50xi32, #tpu.memory_space<vmem>> -> memref<1x50xi32, #tpu.memory_space<vmem>>
        %dma_wait3A_258 = tpu.memref_squeeze %dma_wait3A_257 : memref<1x50xi32, #tpu.memory_space<vmem>> -> memref<50xi32, #tpu.memory_space<vmem>>
        %dma_wait3A_259 = arith.constant 0 : i32
        %dma_wait3A_260 = arith.constant 0 : i32
        %dma_wait3A_261 = tpu.memref_slice %arg2[%dma_wait3A_259, %dma_wait3A_260] : memref<1000000x32xf32, #tpu.memory_space<hbm>> -> memref<1000000x32xf32, #tpu.memory_space<hbm>>
        %dma_wait3A_262 = tpu.memref_slice %arg7[%dma_wait3A_251] : memref<4x!tpu.dma_semaphore, #tpu.memory_space<semaphore_mem>> -> memref<1x!tpu.dma_semaphore, #tpu.memory_space<semaphore_mem>>
        %dma_wait3A_263 = tpu.memref_squeeze %dma_wait3A_262 : memref<1x!tpu.dma_semaphore, #tpu.memory_space<semaphore_mem>> -> memref<!tpu.dma_semaphore, #tpu.memory_space<semaphore_mem>>
        tpu.wait_indirect_dma semaphore(%dma_wait3A_263 : memref<!tpu.dma_semaphore, #tpu.memory_space<semaphore_mem>>) src(%dma_wait3A_261 : memref<1000000x32xf32, #tpu.memory_space<hbm>>) dst(%dma_wait3A_255 : memref<50x32xf32, #tpu.memory_space<vmem>>)
      }
      %scan3A_136 = arith.constant 16 : i32
      %add3A_137 = arith.addi %mul3A_2, %mul3A_89 : i32
      %add3A_138 = arith.constant 0 : i32
      %add3A_139 = arith.addi %add3A_137, %add3A_138 : i32
      %dma_start3A = arith.constant 0 : i32
      %dma_start3A_140 = arith.constant 0 : i32
      %dma_start3A_141 = arith.constant 0 : i32
      %dma_start3A_142 = arith.constant 0 : i32
      %dma_start3A_143 = arith.constant 0 : i32
      %dma_start3A_144 = tpu.memref_slice %arg6[%dma_start3A, %dma_start3A_141, %dma_start3A_142, %dma_start3A_143] : memref<4x16x50x32xf32, #tpu.memory_space<vmem>> -> memref<1x16x50x32xf32, #tpu.memory_space<vmem>>
      %dma_start3A_145 = tpu.memref_squeeze %dma_start3A_144 : memref<1x16x50x32xf32, #tpu.memory_space<vmem>> -> memref<16x50x32xf32, #tpu.memory_space<vmem>>
      %dma_start3A_146 = arith.constant 0 : i32
      %dma_start3A_147 = arith.constant 0 : i32
      %dma_start3A_148 = tpu.memref_slice %arg4[%add3A_139, %dma_start3A_146, %dma_start3A_147] : memref<16384x50x32xf32, #tpu.memory_space<hbm>> -> memref<16x50x32xf32, #tpu.memory_space<hbm>>
      %dma_start3A_149 = tpu.memref_slice %arg8[%dma_start3A_140] : memref<4x!tpu.dma_semaphore, #tpu.memory_space<semaphore_mem>> -> memref<1x!tpu.dma_semaphore, #tpu.memory_space<semaphore_mem>>
      %dma_start3A_150 = tpu.memref_squeeze %dma_start3A_149 : memref<1x!tpu.dma_semaphore, #tpu.memory_space<semaphore_mem>> -> memref<!tpu.dma_semaphore, #tpu.memory_space<semaphore_mem>>
      %dma_start3A_151 = arith.constant 0 : i32
      %dma_start3A_152 = arith.constant 0 : i32
      %dma_start3A_153 = tpu.memref_slice %arg4[%add3A_139, %dma_start3A_151, %dma_start3A_152] : memref<16384x50x32xf32, #tpu.memory_space<hbm>> -> memref<16x50x32xf32, #tpu.memory_space<hbm>>
      %dma_start3A_154 = arith.constant 0 : i32
      %dma_start3A_155 = arith.constant 0 : i32
      %dma_start3A_156 = arith.constant 0 : i32
      %dma_start3A_157 = tpu.memref_slice %arg6[%dma_start3A, %dma_start3A_154, %dma_start3A_155, %dma_start3A_156] : memref<4x16x50x32xf32, #tpu.memory_space<vmem>> -> memref<1x16x50x32xf32, #tpu.memory_space<vmem>>
      %dma_start3A_158 = tpu.memref_squeeze %dma_start3A_157 : memref<1x16x50x32xf32, #tpu.memory_space<vmem>> -> memref<16x50x32xf32, #tpu.memory_space<vmem>>
      tpu.enqueue_dma source(%dma_start3A_158 : memref<16x50x32xf32, #tpu.memory_space<vmem>>) target(%dma_start3A_153 : memref<16x50x32xf32, #tpu.memory_space<hbm>>) target_semaphore(%dma_start3A_150 : memref<!tpu.dma_semaphore, #tpu.memory_space<semaphore_mem>>)
      %scan3A_159 = arith.constant 0 : i32
      %scan3A_160 = arith.constant 0 : i32
      %scan3A_161 = arith.constant 16 : i32
      %scan3A_162 = arith.addi %scan3A_160, %scan3A_161 : i32
      %scan3A_163 = arith.constant 1 : i32
      scf.for %scan3A_246 = %scan3A_160 to %scan3A_162 step %scan3A_163  : i32 {
        %add3A_247 = arith.constant 16 : i32
        %add3A_248 = arith.addi %mul3A_89, %add3A_247 : i32
        %add3A_249 = arith.addi %add3A_248, %scan3A_246 : i32
        %dma_wait3A_250 = arith.constant 1 : i32
        %dma_wait3A_251 = arith.constant 1 : i32
        %dma_wait3A_252 = arith.constant 0 : i32
        %dma_wait3A_253 = arith.constant 0 : i32
        %dma_wait3A_254 = tpu.memref_slice %arg6[%dma_wait3A_250, %scan3A_246, %dma_wait3A_252, %dma_wait3A_253] : memref<4x16x50x32xf32, #tpu.memory_space<vmem>> -> memref<1x1x50x32xf32, #tpu.memory_space<vmem>>
        %dma_wait3A_255 = tpu.memref_squeeze %dma_wait3A_254 : memref<1x1x50x32xf32, #tpu.memory_space<vmem>> -> memref<50x32xf32, #tpu.memory_space<vmem>>
        %dma_wait3A_256 = arith.constant 0 : i32
        %dma_wait3A_257 = tpu.memref_slice %arg5[%add3A_249, %dma_wait3A_256] : memref<512x50xi32, #tpu.memory_space<vmem>> -> memref<1x50xi32, #tpu.memory_space<vmem>>
        %dma_wait3A_258 = tpu.memref_squeeze %dma_wait3A_257 : memref<1x50xi32, #tpu.memory_space<vmem>> -> memref<50xi32, #tpu.memory_space<vmem>>
        %dma_wait3A_259 = arith.constant 0 : i32
        %dma_wait3A_260 = arith.constant 0 : i32
        %dma_wait3A_261 = tpu.memref_slice %arg2[%dma_wait3A_259, %dma_wait3A_260] : memref<1000000x32xf32, #tpu.memory_space<hbm>> -> memref<1000000x32xf32, #tpu.memory_space<hbm>>
        %dma_wait3A_262 = tpu.memref_slice %arg7[%dma_wait3A_251] : memref<4x!tpu.dma_semaphore, #tpu.memory_space<semaphore_mem>> -> memref<1x!tpu.dma_semaphore, #tpu.memory_space<semaphore_mem>>
        %dma_wait3A_263 = tpu.memref_squeeze %dma_wait3A_262 : memref<1x!tpu.dma_semaphore, #tpu.memory_space<semaphore_mem>> -> memref<!tpu.dma_semaphore, #tpu.memory_space<semaphore_mem>>
        tpu.wait_indirect_dma semaphore(%dma_wait3A_263 : memref<!tpu.dma_semaphore, #tpu.memory_space<semaphore_mem>>) src(%dma_wait3A_261 : memref<1000000x32xf32, #tpu.memory_space<hbm>>) dst(%dma_wait3A_255 : memref<50x32xf32, #tpu.memory_space<vmem>>)
      }
      %scan3A_164 = arith.constant 16 : i32
      %add3A_165 = arith.addi %mul3A_2, %mul3A_89 : i32
      %add3A_166 = arith.constant 16 : i32
      %add3A_167 = arith.addi %add3A_165, %add3A_166 : i32
      %dma_start3A_168 = arith.constant 1 : i32
      %dma_start3A_169 = arith.constant 1 : i32
      %dma_start3A_170 = arith.constant 0 : i32
      %dma_start3A_171 = arith.constant 0 : i32
      %dma_start3A_172 = arith.constant 0 : i32
      %dma_start3A_173 = tpu.memref_slice %arg6[%dma_start3A_168, %dma_start3A_170, %dma_start3A_171, %dma_start3A_172] : memref<4x16x50x32xf32, #tpu.memory_space<vmem>> -> memref<1x16x50x32xf32, #tpu.memory_space<vmem>>
      %dma_start3A_174 = tpu.memref_squeeze %dma_start3A_173 : memref<1x16x50x32xf32, #tpu.memory_space<vmem>> -> memref<16x50x32xf32, #tpu.memory_space<vmem>>
      %dma_start3A_175 = arith.constant 0 : i32
      %dma_start3A_176 = arith.constant 0 : i32
      %dma_start3A_177 = tpu.memref_slice %arg4[%add3A_167, %dma_start3A_175, %dma_start3A_176] : memref<16384x50x32xf32, #tpu.memory_space<hbm>> -> memref<16x50x32xf32, #tpu.memory_space<hbm>>
      %dma_start3A_178 = tpu.memref_slice %arg8[%dma_start3A_169] : memref<4x!tpu.dma_semaphore, #tpu.memory_space<semaphore_mem>> -> memref<1x!tpu.dma_semaphore, #tpu.memory_space<semaphore_mem>>
      %dma_start3A_179 = tpu.memref_squeeze %dma_start3A_178 : memref<1x!tpu.dma_semaphore, #tpu.memory_space<semaphore_mem>> -> memref<!tpu.dma_semaphore, #tpu.memory_space<semaphore_mem>>
      %dma_start3A_180 = arith.constant 0 : i32
      %dma_start3A_181 = arith.constant 0 : i32
      %dma_start3A_182 = tpu.memref_slice %arg4[%add3A_167, %dma_start3A_180, %dma_start3A_181] : memref<16384x50x32xf32, #tpu.memory_space<hbm>> -> memref<16x50x32xf32, #tpu.memory_space<hbm>>
      %dma_start3A_183 = arith.constant 0 : i32
      %dma_start3A_184 = arith.constant 0 : i32
      %dma_start3A_185 = arith.constant 0 : i32
      %dma_start3A_186 = tpu.memref_slice %arg6[%dma_start3A_168, %dma_start3A_183, %dma_start3A_184, %dma_start3A_185] : memref<4x16x50x32xf32, #tpu.memory_space<vmem>> -> memref<1x16x50x32xf32, #tpu.memory_space<vmem>>
      %dma_start3A_187 = tpu.memref_squeeze %dma_start3A_186 : memref<1x16x50x32xf32, #tpu.memory_space<vmem>> -> memref<16x50x32xf32, #tpu.memory_space<vmem>>
      tpu.enqueue_dma source(%dma_start3A_187 : memref<16x50x32xf32, #tpu.memory_space<vmem>>) target(%dma_start3A_182 : memref<16x50x32xf32, #tpu.memory_space<hbm>>) target_semaphore(%dma_start3A_179 : memref<!tpu.dma_semaphore, #tpu.memory_space<semaphore_mem>>)
      %scan3A_188 = arith.constant 0 : i32
      %scan3A_189 = arith.constant 0 : i32
      %scan3A_190 = arith.constant 16 : i32
      %scan3A_191 = arith.addi %scan3A_189, %scan3A_190 : i32
      %scan3A_192 = arith.constant 1 : i32
      scf.for %scan3A_246 = %scan3A_189 to %scan3A_191 step %scan3A_192  : i32 {
        %add3A_247 = arith.constant 32 : i32
        %add3A_248 = arith.addi %mul3A_89, %add3A_247 : i32
        %add3A_249 = arith.addi %add3A_248, %scan3A_246 : i32
        %dma_wait3A_250 = arith.constant 2 : i32
        %dma_wait3A_251 = arith.constant 2 : i32
        %dma_wait3A_252 = arith.constant 0 : i32
        %dma_wait3A_253 = arith.constant 0 : i32
        %dma_wait3A_254 = tpu.memref_slice %arg6[%dma_wait3A_250, %scan3A_246, %dma_wait3A_252, %dma_wait3A_253] : memref<4x16x50x32xf32, #tpu.memory_space<vmem>> -> memref<1x1x50x32xf32, #tpu.memory_space<vmem>>
        %dma_wait3A_255 = tpu.memref_squeeze %dma_wait3A_254 : memref<1x1x50x32xf32, #tpu.memory_space<vmem>> -> memref<50x32xf32, #tpu.memory_space<vmem>>
        %dma_wait3A_256 = arith.constant 0 : i32
        %dma_wait3A_257 = tpu.memref_slice %arg5[%add3A_249, %dma_wait3A_256] : memref<512x50xi32, #tpu.memory_space<vmem>> -> memref<1x50xi32, #tpu.memory_space<vmem>>
        %dma_wait3A_258 = tpu.memref_squeeze %dma_wait3A_257 : memref<1x50xi32, #tpu.memory_space<vmem>> -> memref<50xi32, #tpu.memory_space<vmem>>
        %dma_wait3A_259 = arith.constant 0 : i32
        %dma_wait3A_260 = arith.constant 0 : i32
        %dma_wait3A_261 = tpu.memref_slice %arg2[%dma_wait3A_259, %dma_wait3A_260] : memref<1000000x32xf32, #tpu.memory_space<hbm>> -> memref<1000000x32xf32, #tpu.memory_space<hbm>>
        %dma_wait3A_262 = tpu.memref_slice %arg7[%dma_wait3A_251] : memref<4x!tpu.dma_semaphore, #tpu.memory_space<semaphore_mem>> -> memref<1x!tpu.dma_semaphore, #tpu.memory_space<semaphore_mem>>
        %dma_wait3A_263 = tpu.memref_squeeze %dma_wait3A_262 : memref<1x!tpu.dma_semaphore, #tpu.memory_space<semaphore_mem>> -> memref<!tpu.dma_semaphore, #tpu.memory_space<semaphore_mem>>
        tpu.wait_indirect_dma semaphore(%dma_wait3A_263 : memref<!tpu.dma_semaphore, #tpu.memory_space<semaphore_mem>>) src(%dma_wait3A_261 : memref<1000000x32xf32, #tpu.memory_space<hbm>>) dst(%dma_wait3A_255 : memref<50x32xf32, #tpu.memory_space<vmem>>)
      }
      %scan3A_193 = arith.constant 16 : i32
      %add3A_194 = arith.addi %mul3A_2, %mul3A_89 : i32
      %add3A_195 = arith.constant 32 : i32
      %add3A_196 = arith.addi %add3A_194, %add3A_195 : i32
      %dma_start3A_197 = arith.constant 2 : i32
      %dma_start3A_198 = arith.constant 2 : i32
      %dma_start3A_199 = arith.constant 0 : i32
      %dma_start3A_200 = arith.constant 0 : i32
      %dma_start3A_201 = arith.constant 0 : i32
      %dma_start3A_202 = tpu.memref_slice %arg6[%dma_start3A_197, %dma_start3A_199, %dma_start3A_200, %dma_start3A_201] : memref<4x16x50x32xf32, #tpu.memory_space<vmem>> -> memref<1x16x50x32xf32, #tpu.memory_space<vmem>>
      %dma_start3A_203 = tpu.memref_squeeze %dma_start3A_202 : memref<1x16x50x32xf32, #tpu.memory_space<vmem>> -> memref<16x50x32xf32, #tpu.memory_space<vmem>>
      %dma_start3A_204 = arith.constant 0 : i32
      %dma_start3A_205 = arith.constant 0 : i32
      %dma_start3A_206 = tpu.memref_slice %arg4[%add3A_196, %dma_start3A_204, %dma_start3A_205] : memref<16384x50x32xf32, #tpu.memory_space<hbm>> -> memref<16x50x32xf32, #tpu.memory_space<hbm>>
      %dma_start3A_207 = tpu.memref_slice %arg8[%dma_start3A_198] : memref<4x!tpu.dma_semaphore, #tpu.memory_space<semaphore_mem>> -> memref<1x!tpu.dma_semaphore, #tpu.memory_space<semaphore_mem>>
      %dma_start3A_208 = tpu.memref_squeeze %dma_start3A_207 : memref<1x!tpu.dma_semaphore, #tpu.memory_space<semaphore_mem>> -> memref<!tpu.dma_semaphore, #tpu.memory_space<semaphore_mem>>
      %dma_start3A_209 = arith.constant 0 : i32
      %dma_start3A_210 = arith.constant 0 : i32
      %dma_start3A_211 = tpu.memref_slice %arg4[%add3A_196, %dma_start3A_209, %dma_start3A_210] : memref<16384x50x32xf32, #tpu.memory_space<hbm>> -> memref<16x50x32xf32, #tpu.memory_space<hbm>>
      %dma_start3A_212 = arith.constant 0 : i32
      %dma_start3A_213 = arith.constant 0 : i32
      %dma_start3A_214 = arith.constant 0 : i32
      %dma_start3A_215 = tpu.memref_slice %arg6[%dma_start3A_197, %dma_start3A_212, %dma_start3A_213, %dma_start3A_214] : memref<4x16x50x32xf32, #tpu.memory_space<vmem>> -> memref<1x16x50x32xf32, #tpu.memory_space<vmem>>
      %dma_start3A_216 = tpu.memref_squeeze %dma_start3A_215 : memref<1x16x50x32xf32, #tpu.memory_space<vmem>> -> memref<16x50x32xf32, #tpu.memory_space<vmem>>
      tpu.enqueue_dma source(%dma_start3A_216 : memref<16x50x32xf32, #tpu.memory_space<vmem>>) target(%dma_start3A_211 : memref<16x50x32xf32, #tpu.memory_space<hbm>>) target_semaphore(%dma_start3A_208 : memref<!tpu.dma_semaphore, #tpu.memory_space<semaphore_mem>>)
      %scan3A_217 = arith.constant 0 : i32
      %scan3A_218 = arith.constant 0 : i32
      %scan3A_219 = arith.constant 16 : i32
      %scan3A_220 = arith.addi %scan3A_218, %scan3A_219 : i32
      %scan3A_221 = arith.constant 1 : i32
      scf.for %scan3A_246 = %scan3A_218 to %scan3A_220 step %scan3A_221  : i32 {
        %add3A_247 = arith.constant 48 : i32
        %add3A_248 = arith.addi %mul3A_89, %add3A_247 : i32
        %add3A_249 = arith.addi %add3A_248, %scan3A_246 : i32
        %dma_wait3A_250 = arith.constant 3 : i32
        %dma_wait3A_251 = arith.constant 3 : i32
        %dma_wait3A_252 = arith.constant 0 : i32
        %dma_wait3A_253 = arith.constant 0 : i32
        %dma_wait3A_254 = tpu.memref_slice %arg6[%dma_wait3A_250, %scan3A_246, %dma_wait3A_252, %dma_wait3A_253] : memref<4x16x50x32xf32, #tpu.memory_space<vmem>> -> memref<1x1x50x32xf32, #tpu.memory_space<vmem>>
        %dma_wait3A_255 = tpu.memref_squeeze %dma_wait3A_254 : memref<1x1x50x32xf32, #tpu.memory_space<vmem>> -> memref<50x32xf32, #tpu.memory_space<vmem>>
        %dma_wait3A_256 = arith.constant 0 : i32
        %dma_wait3A_257 = tpu.memref_slice %arg5[%add3A_249, %dma_wait3A_256] : memref<512x50xi32, #tpu.memory_space<vmem>> -> memref<1x50xi32, #tpu.memory_space<vmem>>
        %dma_wait3A_258 = tpu.memref_squeeze %dma_wait3A_257 : memref<1x50xi32, #tpu.memory_space<vmem>> -> memref<50xi32, #tpu.memory_space<vmem>>
        %dma_wait3A_259 = arith.constant 0 : i32
        %dma_wait3A_260 = arith.constant 0 : i32
        %dma_wait3A_261 = tpu.memref_slice %arg2[%dma_wait3A_259, %dma_wait3A_260] : memref<1000000x32xf32, #tpu.memory_space<hbm>> -> memref<1000000x32xf32, #tpu.memory_space<hbm>>
        %dma_wait3A_262 = tpu.memref_slice %arg7[%dma_wait3A_251] : memref<4x!tpu.dma_semaphore, #tpu.memory_space<semaphore_mem>> -> memref<1x!tpu.dma_semaphore, #tpu.memory_space<semaphore_mem>>
        %dma_wait3A_263 = tpu.memref_squeeze %dma_wait3A_262 : memref<1x!tpu.dma_semaphore, #tpu.memory_space<semaphore_mem>> -> memref<!tpu.dma_semaphore, #tpu.memory_space<semaphore_mem>>
        tpu.wait_indirect_dma semaphore(%dma_wait3A_263 : memref<!tpu.dma_semaphore, #tpu.memory_space<semaphore_mem>>) src(%dma_wait3A_261 : memref<1000000x32xf32, #tpu.memory_space<hbm>>) dst(%dma_wait3A_255 : memref<50x32xf32, #tpu.memory_space<vmem>>)
      }
      %scan3A_222 = arith.constant 16 : i32
      %add3A_223 = arith.addi %mul3A_2, %mul3A_89 : i32
      %add3A_224 = arith.constant 48 : i32
      %add3A_225 = arith.addi %add3A_223, %add3A_224 : i32
      %dma_start3A_226 = arith.constant 3 : i32
      %dma_start3A_227 = arith.constant 3 : i32
      %dma_start3A_228 = arith.constant 0 : i32
      %dma_start3A_229 = arith.constant 0 : i32
      %dma_start3A_230 = arith.constant 0 : i32
      %dma_start3A_231 = tpu.memref_slice %arg6[%dma_start3A_226, %dma_start3A_228, %dma_start3A_229, %dma_start3A_230] : memref<4x16x50x32xf32, #tpu.memory_space<vmem>> -> memref<1x16x50x32xf32, #tpu.memory_space<vmem>>
      %dma_start3A_232 = tpu.memref_squeeze %dma_start3A_231 : memref<1x16x50x32xf32, #tpu.memory_space<vmem>> -> memref<16x50x32xf32, #tpu.memory_space<vmem>>
      %dma_start3A_233 = arith.constant 0 : i32
      %dma_start3A_234 = arith.constant 0 : i32
      %dma_start3A_235 = tpu.memref_slice %arg4[%add3A_225, %dma_start3A_233, %dma_start3A_234] : memref<16384x50x32xf32, #tpu.memory_space<hbm>> -> memref<16x50x32xf32, #tpu.memory_space<hbm>>
      %dma_start3A_236 = tpu.memref_slice %arg8[%dma_start3A_227] : memref<4x!tpu.dma_semaphore, #tpu.memory_space<semaphore_mem>> -> memref<1x!tpu.dma_semaphore, #tpu.memory_space<semaphore_mem>>
      %dma_start3A_237 = tpu.memref_squeeze %dma_start3A_236 : memref<1x!tpu.dma_semaphore, #tpu.memory_space<semaphore_mem>> -> memref<!tpu.dma_semaphore, #tpu.memory_space<semaphore_mem>>
      %dma_start3A_238 = arith.constant 0 : i32
      %dma_start3A_239 = arith.constant 0 : i32
      %dma_start3A_240 = tpu.memref_slice %arg4[%add3A_225, %dma_start3A_238, %dma_start3A_239] : memref<16384x50x32xf32, #tpu.memory_space<hbm>> -> memref<16x50x32xf32, #tpu.memory_space<hbm>>
      %dma_start3A_241 = arith.constant 0 : i32
      %dma_start3A_242 = arith.constant 0 : i32
      %dma_start3A_243 = arith.constant 0 : i32
      %dma_start3A_244 = tpu.memref_slice %arg6[%dma_start3A_226, %dma_start3A_241, %dma_start3A_242, %dma_start3A_243] : memref<4x16x50x32xf32, #tpu.memory_space<vmem>> -> memref<1x16x50x32xf32, #tpu.memory_space<vmem>>
      %dma_start3A_245 = tpu.memref_squeeze %dma_start3A_244 : memref<1x16x50x32xf32, #tpu.memory_space<vmem>> -> memref<16x50x32xf32, #tpu.memory_space<vmem>>
      tpu.enqueue_dma source(%dma_start3A_245 : memref<16x50x32xf32, #tpu.memory_space<vmem>>) target(%dma_start3A_240 : memref<16x50x32xf32, #tpu.memory_space<hbm>>) target_semaphore(%dma_start3A_237 : memref<!tpu.dma_semaphore, #tpu.memory_space<semaphore_mem>>)
    }
    %scan3A_7 = arith.constant 8 : i32
    %dma_wait3A = arith.constant 0 : i32
    %dma_wait3A_8 = arith.constant 0 : i32
    %dma_wait3A_9 = arith.constant 0 : i32
    %dma_wait3A_10 = arith.constant 0 : i32
    %dma_wait3A_11 = arith.constant 0 : i32
    %dma_wait3A_12 = tpu.memref_slice %arg6[%dma_wait3A, %dma_wait3A_9, %dma_wait3A_10, %dma_wait3A_11] : memref<4x16x50x32xf32, #tpu.memory_space<vmem>> -> memref<1x16x50x32xf32, #tpu.memory_space<vmem>>
    %dma_wait3A_13 = tpu.memref_squeeze %dma_wait3A_12 : memref<1x16x50x32xf32, #tpu.memory_space<vmem>> -> memref<16x50x32xf32, #tpu.memory_space<vmem>>
    %dma_wait3A_14 = arith.constant 0 : i32
    %dma_wait3A_15 = arith.constant 0 : i32
    %dma_wait3A_16 = tpu.memref_slice %arg4[%mul3A_2, %dma_wait3A_14, %dma_wait3A_15] : memref<16384x50x32xf32, #tpu.memory_space<hbm>> -> memref<16x50x32xf32, #tpu.memory_space<hbm>>
    %dma_wait3A_17 = tpu.memref_slice %arg8[%dma_wait3A_8] : memref<4x!tpu.dma_semaphore, #tpu.memory_space<semaphore_mem>> -> memref<1x!tpu.dma_semaphore, #tpu.memory_space<semaphore_mem>>
    %dma_wait3A_18 = tpu.memref_squeeze %dma_wait3A_17 : memref<1x!tpu.dma_semaphore, #tpu.memory_space<semaphore_mem>> -> memref<!tpu.dma_semaphore, #tpu.memory_space<semaphore_mem>>
    %dma_wait3A_19 = arith.constant 0 : i32
    %dma_wait3A_20 = arith.constant 0 : i32
    %dma_wait3A_21 = tpu.memref_slice %arg4[%mul3A_2, %dma_wait3A_19, %dma_wait3A_20] : memref<16384x50x32xf32, #tpu.memory_space<hbm>> -> memref<16x50x32xf32, #tpu.memory_space<hbm>>
    %dma_wait3A_22 = arith.constant 0 : i32
    %dma_wait3A_23 = arith.constant 0 : i32
    %dma_wait3A_24 = arith.constant 0 : i32
    %dma_wait3A_25 = tpu.memref_slice %arg6[%dma_wait3A, %dma_wait3A_22, %dma_wait3A_23, %dma_wait3A_24] : memref<4x16x50x32xf32, #tpu.memory_space<vmem>> -> memref<1x16x50x32xf32, #tpu.memory_space<vmem>>
    %dma_wait3A_26 = tpu.memref_squeeze %dma_wait3A_25 : memref<1x16x50x32xf32, #tpu.memory_space<vmem>> -> memref<16x50x32xf32, #tpu.memory_space<vmem>>
    tpu.wait_dma2 semaphore(%dma_wait3A_18 : memref<!tpu.dma_semaphore, #tpu.memory_space<semaphore_mem>>) src(%dma_wait3A_26 : memref<16x50x32xf32, #tpu.memory_space<vmem>>) dst(%dma_wait3A_21 : memref<16x50x32xf32, #tpu.memory_space<hbm>>)
    %dma_wait3A_27 = arith.constant 1 : i32
    %dma_wait3A_28 = arith.constant 1 : i32
    %dma_wait3A_29 = arith.constant 0 : i32
    %dma_wait3A_30 = arith.constant 0 : i32
    %dma_wait3A_31 = arith.constant 0 : i32
    %dma_wait3A_32 = tpu.memref_slice %arg6[%dma_wait3A_27, %dma_wait3A_29, %dma_wait3A_30, %dma_wait3A_31] : memref<4x16x50x32xf32, #tpu.memory_space<vmem>> -> memref<1x16x50x32xf32, #tpu.memory_space<vmem>>
    %dma_wait3A_33 = tpu.memref_squeeze %dma_wait3A_32 : memref<1x16x50x32xf32, #tpu.memory_space<vmem>> -> memref<16x50x32xf32, #tpu.memory_space<vmem>>
    %dma_wait3A_34 = arith.constant 0 : i32
    %dma_wait3A_35 = arith.constant 0 : i32
    %dma_wait3A_36 = tpu.memref_slice %arg4[%mul3A_2, %dma_wait3A_34, %dma_wait3A_35] : memref<16384x50x32xf32, #tpu.memory_space<hbm>> -> memref<16x50x32xf32, #tpu.memory_space<hbm>>
    %dma_wait3A_37 = tpu.memref_slice %arg8[%dma_wait3A_28] : memref<4x!tpu.dma_semaphore, #tpu.memory_space<semaphore_mem>> -> memref<1x!tpu.dma_semaphore, #tpu.memory_space<semaphore_mem>>
    %dma_wait3A_38 = tpu.memref_squeeze %dma_wait3A_37 : memref<1x!tpu.dma_semaphore, #tpu.memory_space<semaphore_mem>> -> memref<!tpu.dma_semaphore, #tpu.memory_space<semaphore_mem>>
    %dma_wait3A_39 = arith.constant 0 : i32
    %dma_wait3A_40 = arith.constant 0 : i32
    %dma_wait3A_41 = tpu.memref_slice %arg4[%mul3A_2, %dma_wait3A_39, %dma_wait3A_40] : memref<16384x50x32xf32, #tpu.memory_space<hbm>> -> memref<16x50x32xf32, #tpu.memory_space<hbm>>
    %dma_wait3A_42 = arith.constant 0 : i32
    %dma_wait3A_43 = arith.constant 0 : i32
    %dma_wait3A_44 = arith.constant 0 : i32
    %dma_wait3A_45 = tpu.memref_slice %arg6[%dma_wait3A_27, %dma_wait3A_42, %dma_wait3A_43, %dma_wait3A_44] : memref<4x16x50x32xf32, #tpu.memory_space<vmem>> -> memref<1x16x50x32xf32, #tpu.memory_space<vmem>>
    %dma_wait3A_46 = tpu.memref_squeeze %dma_wait3A_45 : memref<1x16x50x32xf32, #tpu.memory_space<vmem>> -> memref<16x50x32xf32, #tpu.memory_space<vmem>>
    tpu.wait_dma2 semaphore(%dma_wait3A_38 : memref<!tpu.dma_semaphore, #tpu.memory_space<semaphore_mem>>) src(%dma_wait3A_46 : memref<16x50x32xf32, #tpu.memory_space<vmem>>) dst(%dma_wait3A_41 : memref<16x50x32xf32, #tpu.memory_space<hbm>>)
    %dma_wait3A_47 = arith.constant 2 : i32
    %dma_wait3A_48 = arith.constant 2 : i32
    %dma_wait3A_49 = arith.constant 0 : i32
    %dma_wait3A_50 = arith.constant 0 : i32
    %dma_wait3A_51 = arith.constant 0 : i32
    %dma_wait3A_52 = tpu.memref_slice %arg6[%dma_wait3A_47, %dma_wait3A_49, %dma_wait3A_50, %dma_wait3A_51] : memref<4x16x50x32xf32, #tpu.memory_space<vmem>> -> memref<1x16x50x32xf32, #tpu.memory_space<vmem>>
    %dma_wait3A_53 = tpu.memref_squeeze %dma_wait3A_52 : memref<1x16x50x32xf32, #tpu.memory_space<vmem>> -> memref<16x50x32xf32, #tpu.memory_space<vmem>>
    %dma_wait3A_54 = arith.constant 0 : i32
    %dma_wait3A_55 = arith.constant 0 : i32
    %dma_wait3A_56 = tpu.memref_slice %arg4[%mul3A_2, %dma_wait3A_54, %dma_wait3A_55] : memref<16384x50x32xf32, #tpu.memory_space<hbm>> -> memref<16x50x32xf32, #tpu.memory_space<hbm>>
    %dma_wait3A_57 = tpu.memref_slice %arg8[%dma_wait3A_48] : memref<4x!tpu.dma_semaphore, #tpu.memory_space<semaphore_mem>> -> memref<1x!tpu.dma_semaphore, #tpu.memory_space<semaphore_mem>>
    %dma_wait3A_58 = tpu.memref_squeeze %dma_wait3A_57 : memref<1x!tpu.dma_semaphore, #tpu.memory_space<semaphore_mem>> -> memref<!tpu.dma_semaphore, #tpu.memory_space<semaphore_mem>>
    %dma_wait3A_59 = arith.constant 0 : i32
    %dma_wait3A_60 = arith.constant 0 : i32
    %dma_wait3A_61 = tpu.memref_slice %arg4[%mul3A_2, %dma_wait3A_59, %dma_wait3A_60] : memref<16384x50x32xf32, #tpu.memory_space<hbm>> -> memref<16x50x32xf32, #tpu.memory_space<hbm>>
    %dma_wait3A_62 = arith.constant 0 : i32
    %dma_wait3A_63 = arith.constant 0 : i32
    %dma_wait3A_64 = arith.constant 0 : i32
    %dma_wait3A_65 = tpu.memref_slice %arg6[%dma_wait3A_47, %dma_wait3A_62, %dma_wait3A_63, %dma_wait3A_64] : memref<4x16x50x32xf32, #tpu.memory_space<vmem>> -> memref<1x16x50x32xf32, #tpu.memory_space<vmem>>
    %dma_wait3A_66 = tpu.memref_squeeze %dma_wait3A_65 : memref<1x16x50x32xf32, #tpu.memory_space<vmem>> -> memref<16x50x32xf32, #tpu.memory_space<vmem>>
    tpu.wait_dma2 semaphore(%dma_wait3A_58 : memref<!tpu.dma_semaphore, #tpu.memory_space<semaphore_mem>>) src(%dma_wait3A_66 : memref<16x50x32xf32, #tpu.memory_space<vmem>>) dst(%dma_wait3A_61 : memref<16x50x32xf32, #tpu.memory_space<hbm>>)
    %dma_wait3A_67 = arith.constant 3 : i32
    %dma_wait3A_68 = arith.constant 3 : i32
    %dma_wait3A_69 = arith.constant 0 : i32
    %dma_wait3A_70 = arith.constant 0 : i32
    %dma_wait3A_71 = arith.constant 0 : i32
    %dma_wait3A_72 = tpu.memref_slice %arg6[%dma_wait3A_67, %dma_wait3A_69, %dma_wait3A_70, %dma_wait3A_71] : memref<4x16x50x32xf32, #tpu.memory_space<vmem>> -> memref<1x16x50x32xf32, #tpu.memory_space<vmem>>
    %dma_wait3A_73 = tpu.memref_squeeze %dma_wait3A_72 : memref<1x16x50x32xf32, #tpu.memory_space<vmem>> -> memref<16x50x32xf32, #tpu.memory_space<vmem>>
    %dma_wait3A_74 = arith.constant 0 : i32
    %dma_wait3A_75 = arith.constant 0 : i32
    %dma_wait3A_76 = tpu.memref_slice %arg4[%mul3A_2, %dma_wait3A_74, %dma_wait3A_75] : memref<16384x50x32xf32, #tpu.memory_space<hbm>> -> memref<16x50x32xf32, #tpu.memory_space<hbm>>
    %dma_wait3A_77 = tpu.memref_slice %arg8[%dma_wait3A_68] : memref<4x!tpu.dma_semaphore, #tpu.memory_space<semaphore_mem>> -> memref<1x!tpu.dma_semaphore, #tpu.memory_space<semaphore_mem>>
    %dma_wait3A_78 = tpu.memref_squeeze %dma_wait3A_77 : memref<1x!tpu.dma_semaphore, #tpu.memory_space<semaphore_mem>> -> memref<!tpu.dma_semaphore, #tpu.memory_space<semaphore_mem>>
    %dma_wait3A_79 = arith.constant 0 : i32
    %dma_wait3A_80 = arith.constant 0 : i32
    %dma_wait3A_81 = tpu.memref_slice %arg4[%mul3A_2, %dma_wait3A_79, %dma_wait3A_80] : memref<16384x50x32xf32, #tpu.memory_space<hbm>> -> memref<16x50x32xf32, #tpu.memory_space<hbm>>
    %dma_wait3A_82 = arith.constant 0 : i32
    %dma_wait3A_83 = arith.constant 0 : i32
    %dma_wait3A_84 = arith.constant 0 : i32
    %dma_wait3A_85 = tpu.memref_slice %arg6[%dma_wait3A_67, %dma_wait3A_82, %dma_wait3A_83, %dma_wait3A_84] : memref<4x16x50x32xf32, #tpu.memory_space<vmem>> -> memref<1x16x50x32xf32, #tpu.memory_space<vmem>>
    %dma_wait3A_86 = tpu.memref_squeeze %dma_wait3A_85 : memref<1x16x50x32xf32, #tpu.memory_space<vmem>> -> memref<16x50x32xf32, #tpu.memory_space<vmem>>
    tpu.wait_dma2 semaphore(%dma_wait3A_78 : memref<!tpu.dma_semaphore, #tpu.memory_space<semaphore_mem>>) src(%dma_wait3A_86 : memref<16x50x32xf32, #tpu.memory_space<vmem>>) dst(%dma_wait3A_81 : memref<16x50x32xf32, #tpu.memory_space<hbm>>)
    return
  }
}

</mosaic_0001>

<sc_bundles>
// kernel: kernel.3.cloned.1.call-start
scs
__scs_entry_jumppad:
0x0: {  	(pc) =	sbr.rel $0x88, $3  }
0x1: {  	(tag) =	ssettag $0x0;
	lr =	simm.s32 $0x1  }
0x2: {  	[smem:$0x3F9F] =	sst lr;
	_ =	strace $0xD0000000  }
0x3: {  	_ = 	snop  }
0x4: {  	_ = 	snop  }
0x5: {  	_ = 	snop  }
0x6: {  	_ = 	snop  }
0x7: {  	_ = 	snop  }
__scs_overlays_trampoline_lowered:
0x8: {  	[smem:$0x3FAE] =	sst s0  }
0x9: {  	[smem:$0x3FAF] =	sst s1  }
0xa: {  	[smem:$0x3FB0] =	sst s2  }
0xb: {  	[smem:$0x3FB1] =	sst s3  }
0xc: {  	[smem:$0x3FB2] =	sst s4  }
0xd: {  	[smem:$0x3FB3] =	sst s5  }
0xe: {  	[smem:$0x3FB4] =	sst s6  }
0xf: {  	[smem:$0x3FB5] =	sst s7  }
0x10: {  	[smem:$0x3FB6] =	sst s8  }
0x11: {  	[smem:$0x3FB7] =	sst s9;
	s0 =	simm.s32 @!p0 $0x0  }
0x12: {  	s1 =	sld [smem:$0x3F9D];
	s0 =	simm.s32 @p0 $0x1  }
0x13: {  	[smem:$0x3FB8] =	sst s0;
	s0 =	simm.s32 @!p1 $0x0  }
0x14: {  	s2 =	sld [smem:$0x3F9C];
	s0 =	simm.s32 @p1 $0x1  }
0x15: {  	[smem:$0x3FB9] =	sst s0;
	s0 =	simm.s32 @!p2 $0x0  }
0x16: {  	s3 =	sld [smem:$0x3FDB];
	s0 =	simm.s32 @p2 $0x1  }
0x17: {  	s4 =	simm.s32 $0x1BF5;
	[smem:$0x3FBB] =	sst s0  }
0x18: {  	s0 =	sld [smem:$0x3F9E];
	_ =	swait.ge [sflag:s4], $0x0  }
0x19: {  	s7 =	sld [smem:$0x3F9F]  }
0x1a: {  	s8 =	sadd.s32 $0xFFFFE003, lr  }
0x1b: {  	s9 =	sadd.s32 $0xFFFFFEF7, lr;
	s5 =	simm.s32 $0xFFFFFFFF;
	p2 =	slt.u32 s8, $0xFFFFF086  }
0x1c: {  	p1 =	slt.u32 s9, $0xF7A;
	s5 =	simm.s32 @!p2 $0x0  }
0x1d: {  	s5 =	simm.s32 @p1 $0x1;
	p0 =	seq.s32 s7, s2  }
0x1e: {  	s7 =	smul.u32 @!p0 $0xF7A, s2;
	p2 =	seq.s32 @!p0 s5, $0x0  }
0x1f: {  	s9 =	smul.u32 $0xF7A, s1;
	s8 =	simm.s32 @!p0 $0x1BF5;
	p2 =	por !p2, p0  }
0x20: {  	[sflag:s8] =	ssyncset.s32 @!p0 $0xFFFFF086;
	s6 =	sadd.s32 @!p0 s3, s7;
	s7 =	simm.s32 @!p0 $0x108  }
0x21: {  	s3 =	sadd.s32 s3, s9;
	s6 =	sadd.s32 @!p0 $0x88, s6;
	s7 =	simm.s32 @p2 $0x1082  }
0x22: {  	[simem:s7], [sflag:s8] =	dma.local @!p0 [hbm:s6], $0xF7A  }
0x23: {  	s9 =	sor.u32 $0xD0000000, s2;
	s6 =	simm.s32 $0x108;
	_ =	swait.ge @!p0 [sflag:s8], $0x0  }
0x24: {  	s3 =	sadd.s32 $0x88, s3;
	s6 =	simm.s32 @!p1 $0x1082;
	[sflag:s4] =	ssyncset.s32 $0xFFFFF086  }
0x25: {  	[simem:s6], [sflag:s4] =	dma.local [hbm:s3], $0xF7A  }
0x26: {  	[smem:$0x3F9F] =	sst s1;
	(tag) =	ssettag s2;
	_ =	strace s9  }
0x27: {  	s1 =	sld [smem:$0x3FAF]  }
0x28: {  	s2 =	sld [smem:$0x3FB0]  }
0x29: {  	s4 =	sld [smem:$0x3FB2]  }
0x2a: {  	p0 =	seq.s32 s5, $0x0;
	s5 =	sld [smem:$0x3FB3]  }
0x2b: {  	s6 =	sld [smem:$0x3FB4]  }
0x2c: {  	s7 =	sld [smem:$0x3FB5]  }
0x2d: {  	s3 =	simm.s32 $0x108;
	s8 =	sld [smem:$0x3FB6]  }
0x2e: {  	s3 =	simm.s32 @!p0 $0x1082;
	s9 =	sld [smem:$0x3FB7]  }
0x2f: {  	lr =	sadd.s32 s0, s3;
	s0 =	sld [smem:$0x3FAE]  }
0x30: {  	s3 =	sld [smem:$0x3FB1]  }
0x31: {  	[smem:$0x3FBA] =	sst s10  }
0x32: {  	s10 =	sld [smem:$0x3FB8];
	_ =	sdelay $0x3  }
0x33: {  	p0 =	seq.s32 s10, $0x1;
	s10 =	sld [smem:$0x3FBA];
	_ =	sdelay $0x3  }
0x34: {  	[smem:$0x3FBA] =	sst s10  }
0x35: {  	s10 =	sld [smem:$0x3FB9];
	_ =	sdelay $0x3  }
0x36: {  	p1 =	seq.s32 s10, $0x1;
	s10 =	sld [smem:$0x3FBA];
	_ =	sdelay $0x3  }
0x37: {  	[smem:$0x3FBA] =	sst s10  }
0x38: {  	s10 =	sld [smem:$0x3FBB]  }
0x39: {  	_ = 	snop;
	(pc) =	sbr.ind lr, $3  }
0x3a: {  	_ = 	snop  }
0x3b: {  	_ = 	snop  }
0x3c: {  	p2 =	seq.s32 s10, $0x1;
	s10 =	sld [smem:$0x3FBA]  }
0x3d: {  	_ =	shalt  }
0x3e: {  	_ =	shalt  }
0x3f: {  	_ =	shalt  }
0x40: {  	_ =	shalt  }
0x41: {  	_ =	shalt  }
0x42: {  	_ =	shalt  }
0x43: {  	_ =	shalt  }
0x44: {  	_ =	shalt  }
0x45: {  	_ =	shalt  }
0x46: {  	_ =	shalt  }
0x47: {  	_ =	shalt  }
0x48: {  	_ =	shalt  }
0x49: {  	_ =	shalt  }
0x4a: {  	_ =	shalt  }
0x4b: {  	_ =	shalt  }
0x4c: {  	_ =	shalt  }
0x4d: {  	_ =	shalt  }
0x4e: {  	_ =	shalt  }
0x4f: {  	_ =	shalt  }
0x50: {  	_ =	shalt  }
0x51: {  	_ =	shalt  }
0x52: {  	_ =	shalt  }
0x53: {  	_ =	shalt  }
0x54: {  	_ =	shalt  }
0x55: {  	_ =	shalt  }
0x56: {  	_ =	shalt  }
0x57: {  	_ =	shalt  }
0x58: {  	_ =	shalt  }
0x59: {  	_ =	shalt  }
0x5a: {  	_ =	shalt  }
0x5b: {  	_ =	shalt  }
0x5c: {  	_ =	shalt  }
0x5d: {  	_ =	shalt  }
0x5e: {  	_ =	shalt  }
0x5f: {  	_ =	shalt  }
0x60: {  	_ =	shalt  }
0x61: {  	_ =	shalt  }
0x62: {  	_ =	shalt  }
0x63: {  	_ =	shalt  }
0x64: {  	_ =	shalt  }
0x65: {  	_ =	shalt  }
0x66: {  	_ =	shalt  }
0x67: {  	_ =	shalt  }
0x68: {  	_ =	shalt  }
0x69: {  	_ =	shalt  }
0x6a: {  	_ =	shalt  }
0x6b: {  	_ =	shalt  }
0x6c: {  	_ =	shalt  }
0x6d: {  	_ =	shalt  }
0x6e: {  	_ =	shalt  }
0x6f: {  	_ =	shalt  }
0x70: {  	_ =	shalt  }
0x71: {  	_ =	shalt  }
0x72: {  	_ =	shalt  }
0x73: {  	_ =	shalt  }
0x74: {  	_ =	shalt  }
0x75: {  	_ =	shalt  }
0x76: {  	_ =	shalt  }
0x77: {  	_ =	shalt  }
0x78: {  	_ =	shalt  }
0x79: {  	_ =	shalt  }
0x7a: {  	_ =	shalt  }
0x7b: {  	_ =	shalt  }
0x7c: {  	_ =	shalt  }
0x7d: {  	_ =	shalt  }
0x7e: {  	_ =	shalt  }
0x7f: {  	_ =	shalt  }
0x80: {  	_ =	shalt  }
0x81: {  	_ =	shalt  }
0x82: {  	_ =	shalt  }
0x83: {  	_ =	shalt  }
0x84: {  	_ =	shalt  }
0x85: {  	_ =	shalt  }
0x86: {  	_ =	shalt  }
0x87: {  	_ =	shalt  }
.Lfunc_end0:
.L_simem_size_0:
called_computation.1_lowered:
.L_overlay_start_0:
0x88: {  	s2 =	sld [smem:$0x3FD9]  }
0x89: {  	s3 =	sld [smem:$0x3FFE];
	_ =	sdelay $0x1  }
0x8a: {  	s1 =	srdreg.scid  }
0x8b: {  	s0 =	sand.u32 $0x1, s1  }
0x8c: {  	s17 =	sshll.u32 s0, $0xA;
	s2 =	sadd.s32 s3, s2  }
0x8d: {  	s2 =	sadd.s32 s2, s17  }
0x8e: {  	[smem:$0x3FC6] =	sst s2  }
0x8f: {  	_ = 	snop  }
0x90: {  	s2 =	sld [smem:$0x3FD0];
	(tm) =	ssettm $0x1  }
0x91: {  	s18 =	sld [smem:$0x3FFB];
	_ =	sdelay $0x3  }
0x92: {  	_ =	strace s18  }
0x93: {  	s3 =	sld [smem:$0x3FFC];
	_ =	sdelay $0x3  }
0x94: {  	_ =	strace s3  }
0x95: {  	s3 =	sld [smem:$0x3FFD];
	_ =	sdelay $0x3  }
0x96: {  	_ =	strace s3  }
0x97: {  	_ =	strace $0x8FFFFFFF  }
0x98: {  	s19 =	sld [smem:$0x3FDB];
	_ =	sdelay $0x1  }
0x99: {  	s4 =	simm.s32 $_scs_section_size  }
0x9a: {  	s5 =	simm.s32 $_size__tile_overlayer_lowered;
	s6 =	simm.s32 $_tile_overlayer_lowered  }
0x9b: {  	s22 =	simm.s32 $0x1BFF;
	s21 =	sshll.u32 s6, $0x1;
	s3 =	sadd.s32 s4, s19  }
0x9c: {  	s7 =	simm.s32 $0x0;
	s20 =	sshll.u32 s5, $0x1;
	s5 =	sadd.s32 s21, s3  }
0x9d: {  	[timem:s7], [sflag:s22] =	dma.local [hbm:s5], s20  }
0x9e: {  	_ =	swait.ge [sflag:s22], s20  }
0x9f: {  	s4 =	ssub.s32 $0x0, s20;
	[sflag:s22] =	ssyncset.done $0x0  }
0xa0: {  	[sflag:s22] =	ssyncadd.s32 s4;
	_ =	sdelay $0x1  }
0xa1: {  	s23 =	simm.s32 $0x1B8B  }
0xa2: {  	_ =	swait.ge [sflag:s23], $0x1  }
0xa3: {  	[sflag:s23] =	ssyncset.done $0x0  }
0xa4: {  	s25 =	simm.s32 $0x1B8E;
	s24 =	sld [smem:$0x3FFE];
	[sflag:s23] =	ssyncadd.s32 $0xFFFFFFFF  }
0xa5: {  	s26 =	simm.s32 $execute0_lowered;
	[smem:$0x3FD2] =	sst s25  }
0xa6: {  	s5 =	sshll.u32 s26, $0x1;
	_ =	strace $0x80000046;
	[dreg:$0x1] =	wrdreg $0xFFFFFFFF  }
0xa7: {  	s28 =	simm.s32 $_size_execute0_lowered;
	s3 =	sadd.s32 s3, s5;
	[dreg:$0x0] =	wrdreg $0x0  }
0xa8: {  	s5 =	sshll.u32 s28, $0x1;
	[dreg:$0x2] =	wrdreg s3  }
0xa9: {  	[dreg:$0x3] =	wrdreg s5  }
0xaa: {  	[dreg:$0x4] =	wrdreg $0xC0  }
0xab: {  	_ =	task [dreg:s7], $0x5FFFF  }
0xac: {  	[dreg:$0x1] =	wrdreg $0xFFFFFFFF  }
0xad: {  	[dreg:$0x0] =	wrdreg $0x60  }
0xae: {  	[dreg:$0x2] =	wrdreg s24  }
0xaf: {  	[dreg:$0x3] =	wrdreg s2  }
0xb0: {  	[dreg:$0x4] =	wrdreg $0x9  }
0xb1: {  	_ =	task.clear_ibuf [dreg:s7], $0x5FFFF;
	_ =	strace $0x90000046  }
0xb2: {  	s29 =	simm.s32 $0x9;
	_ =	strace $0x80000048  }
0xb3: {  	_ =	swait.ge [sflag:s29], $0x1  }
0xb4: {  	[sflag:s29] =	ssyncadd.s32 $0xFFFFFFFF  }
0xb5: {  	_ =	strace $0x90000048  }
0xb6: {  	_ =	sfence  }
0xb7: {  	s30 =	sld [smem:$0x0];
	_ =	sdelay $0x2  }
0xb8: {  	s31 =	sshll.u32 s1, $0xD;
	s1 =	sshrl.u32 s1, $0x2  }
0xb9: {  	s3 =	sand.u32 $0x4000, s31;
	s1 =	sadd.s32 s1, s30  }
0xba: {  	s0 =	sor.u32 s3, s0;
	s1 =	sshll.u32 s1, $0x11  }
0xbb: {  	s0 =	sor.u32 s1, s0  }
0xbc: {  	s0 =	sadd.s32 $0x8F2B, s0  }
0xbd: {  	[sflag:s0] =	ssyncadd.remote.s32 $0x1  }
0xbe: {  	_ =	sfence.sel $0xFFFF  }
0xbf: {  	[dreg:$0x0] =	wrdreg $0xFFFFFFFF;
	(pc) =	sbr.abs _section_cstart, $3  }
0xc0: {  	[dreg:$0x1] =	wrdreg $0xFFFFFFFF  }
0xc1: {  	_ =	task.clear_ibuf [dreg:s7], $0x2FFFF;
	_ =	strace $0x9FFFFFFF  }
0xc2: {  	(tm) =	ssettm $0x7FFFFFFF  }
0xc3: {  	_ =	shalt  }
tec
execute0_lowered:
.L_overlay_start_1:
0x0: {  	(tag) =	ssettag $0x1  }
0x1: {  	s0 =	rddreg [dreg:$0x0]  }
0x2: {  	s2 =	rddreg [dreg:$0x1];
	s1 =	simm.s32 $0x0  }
0x3: {  	s3 =	simm.s32 $0x7640;
	[smem:$0x7FF] =	sst s1  }
0x4: {  	s15 =	simm.s32 $0x7C80;
	_ =	strace $0x80000047;
	[dreg:$0x3] =	wrdreg s3  }
0x5: {  	s16 =	simm.s32 $0x82C0;
	[dreg:$0x4] =	wrdreg s15  }
0x6: {  	s17 =	simm.s32 $0x8900;
	[dreg:$0x5] =	wrdreg s16  }
0x7: {  	s18 =	simm.s32 $0x8F40;
	[dreg:$0x6] =	wrdreg s17  }
0x8: {  	s19 =	simm.s32 $0x9580;
	[dreg:$0x7] =	wrdreg s18  }
0x9: {  	s20 =	simm.s32 $0x9BC0;
	[dreg:$0x8] =	wrdreg s19  }
0xa: {  	s21 =	simm.s32 $0xA200;
	[dreg:$0x9] =	wrdreg s20  }
0xb: {  	s22 =	simm.s32 $0xA840;
	[dreg:$0xa] =	wrdreg s21  }
0xc: {  	s23 =	simm.s32 $0xAE80;
	[dreg:$0xb] =	wrdreg s22  }
0xd: {  	s24 =	simm.s32 $0xB4C0;
	[dreg:$0xc] =	wrdreg s23  }
0xe: {  	s25 =	simm.s32 $0xBB00;
	[dreg:$0xd] =	wrdreg s24  }
0xf: {  	s26 =	simm.s32 $0xC140;
	[dreg:$0xe] =	wrdreg s25  }
0x10: {  	s28 =	simm.s32 $0xC780;
	[dreg:$0xf] =	wrdreg s26  }
0x11: {  	s29 =	simm.s32 $0xCDC0;
	[dreg:$0x10] =	wrdreg s28  }
0x12: {  	s30 =	simm.s32 $0xDA40;
	[dreg:$0x11] =	wrdreg s29  }
0x13: {  	s31 =	simm.s32 $0xE080;
	[dreg:$0x12] =	wrdreg s30  }
0x14: {  	s4 =	simm.s32 $0xE6C0;
	[dreg:$0x13] =	wrdreg s31  }
0x15: {  	s5 =	simm.s32 $0xED00;
	[dreg:$0x14] =	wrdreg s4  }
0x16: {  	s6 =	simm.s32 $0xF340;
	[dreg:$0x15] =	wrdreg s5  }
0x17: {  	s7 =	simm.s32 $0xF980;
	[dreg:$0x16] =	wrdreg s6  }
0x18: {  	s8 =	simm.s32 $0xFFC0;
	[dreg:$0x17] =	wrdreg s7  }
0x19: {  	s9 =	simm.s32 $0x10600;
	[dreg:$0x18] =	wrdreg s8  }
0x1a: {  	s10 =	simm.s32 $0x10C40;
	[dreg:$0x19] =	wrdreg s9  }
0x1b: {  	s11 =	simm.s32 $0x11280;
	[dreg:$0x1a] =	wrdreg s10  }
0x1c: {  	s12 =	simm.s32 $0x118C0;
	[dreg:$0x1b] =	wrdreg s11  }
0x1d: {  	s13 =	simm.s32 $0x11F00;
	[dreg:$0x1c] =	wrdreg s12  }
0x1e: {  	s14 =	simm.s32 $0x12540;
	[dreg:$0x1d] =	wrdreg s13  }
0x1f: {  	[dreg:$0x1e] =	wrdreg s14;
	s15 =	simm.s32 $0x12B80  }
0x20: {  	s17 =	simm.s32 $0x131C0;
	[dreg:$0x1f] =	wrdreg s15  }
0x21: {  	s18 =	simm.s32 $0x13E40;
	[smem:$0x7DD] =	sst s17  }
0x22: {  	s19 =	simm.s32 $0x14480;
	[smem:$0x7DE] =	sst s18  }
0x23: {  	s20 =	simm.s32 $0x14AC0;
	[smem:$0x7DF] =	sst s19  }
0x24: {  	s21 =	simm.s32 $0x15100;
	[smem:$0x7E0] =	sst s20  }
0x25: {  	s22 =	simm.s32 $0x15740;
	[smem:$0x7E1] =	sst s21  }
0x26: {  	s24 =	simm.s32 $0x15D80;
	[smem:$0x7E2] =	sst s22  }
0x27: {  	s25 =	simm.s32 $0x163C0;
	[smem:$0x7E3] =	sst s24  }
0x28: {  	s26 =	simm.s32 $0x16A00;
	[smem:$0x7E4] =	sst s25  }
0x29: {  	s28 =	simm.s32 $0x17040;
	[smem:$0x7E6] =	sst s26  }
0x2a: {  	s30 =	simm.s32 $0x17680;
	[smem:$0x7E7] =	sst s28  }
0x2b: {  	s10 =	simm.s32 $0x18940;
	[smem:$0x7E9] =	sst s30  }
0x2c: {  	s4 =	srdreg.scid;
	s11 =	simm.s32 $0x18F80;
	[smem:$0x7EC] =	sst s10  }
0x2d: {  	s9 =	stileid.u32;
	s12 =	simm.s32 $0x195C0;
	[smem:$0x7ED] =	sst s11  }
0x2e: {  	s3 =	sadd.s32 $0xF42E00, s0;
	s13 =	simm.s32 $0x1A240;
	[smem:$0x7EE] =	sst s12  }
0x2f: {  	s6 =	sand.u32 $0x1, s4;
	[smem:$0x7EF] =	sst s13;
	s15 =	simm.s32 $0x1A880  }
0x30: {  	s16 =	sshll.u32 s9, $0xA;
	s17 =	simm.s32 $0x1AEC0;
	[smem:$0x7F0] =	sst s15  }
0x31: {  	s29 =	smul.u32 $0x32000, s9;
	s18 =	simm.s32 $0x1B500;
	[smem:$0x7F1] =	sst s17  }
0x32: {  	s9 =	smul.u32 $0x190000, s9;
	s19 =	simm.s32 $0x1BB40;
	[smem:$0x7F2] =	sst s18  }
0x33: {  	s21 =	simm.s32 $0x1C180;
	s22 =	simm.s32 $0x1C7C0;
	[smem:$0x7F3] =	sst s19  }
0x34: {  	s24 =	simm.s32 $0x1D440;
	s25 =	simm.s32 $0x1DA80;
	[smem:$0x7F4] =	sst s21  }
0x35: {  	s26 =	simm.s32 $0x1E0C0;
	s28 =	simm.s32 $0x1E700;
	[smem:$0x7F5] =	sst s22  }
0x36: {  	s11 =	simm.s32 $0x32;
	s12 =	simm.s32 $0x7000;
	[smem:$0x7F7] =	sst s24  }
0x37: {  	s30 =	simm.s32 $0x1F380;
	s13 =	simm.s32 $0xD400;
	[smem:$0x7F8] =	sst s25  }
0x38: {  	s5 =	sshll.u32 s6, $0x9;
	s8 =	smul.u32 $0x19000, s6;
	[smem:$0x7F9] =	sst s26  }
0x39: {  	s23 =	ssub.s32 $0x2, s6;
	s10 =	smul.u32 $0xC8000, s6;
	[smem:$0x7FA] =	sst s28  }
0x3a: {  	[smem:$0x7FC] =	sst s30;
	s15 =	simm.s32 $0x19C00;
	s17 =	simm.s32 $0x2  }
0x3b: {  	s18 =	simm.s32 $0x3;
	s19 =	simm.s32 $0x4;
	s21 =	simm.s32 $0x6  }
0x3c: {  	s22 =	simm.s32 $0x7;
	s4 =	sor.u32 s5, s16;
	s7 =	sshrl.u32 s23, $0x1  }
0x3d: {  	s24 =	simm.s32 $0x0;
	s4 =	smul.u32 $0x7, s4;
	s5 =	ssub.s32 s23, s7  }
0x3e: {  	s7 =	sadd.s32 s29, s2;
	s14 =	sadd.s32 s10, s9;
	s23 =	simm.s32 $0x1CE00  }
0x3f: {  	s29 =	simm.s32 $0x1ED40;
	s31 =	smax.u32 s5, $0x1;
	s5 =	simm.s32 $0x18300  }
0x40: {  	s6 =	sadd.s32 s8, s7;
	s16 =	sadd.s32 $0x12C00, s14;
	[smem:$0x7F6] =	sst s23  }
0x41: {  	s20 =	sadd.s32 $0xC800, s14;
	s7 =	sor.u32 $0x6400, s14;
	[smem:$0x7FB] =	sst s29  }
0x42: {  	s14 =	simm.s32 $0x13800;
	s23 =	simm.s32 $0x8;
	[smem:$0x7E8] =	sst s31  }
0x43: {  	s0 =	sadd.s32 s4, s0;
	s4 =	simm.s32 $0x17CC0;
	[smem:$0x7EB] =	sst s5  }
0x44: {  	s8 =	sshrl.u32 s16, $0x3;
	s31 =	simm.s32 $0x1F9C0;
	[smem:$0x7EA] =	sst s4  }
0x45: {  	s9 =	sshrl.u32 s20, $0x3;
	s0 =	sadd.s32 $0xA00, s0;
	[smem:$0x7FD] =	sst s31  }
0x46: {  	s7 =	sshrl.u32 s7, $0x3;
	s16 =	simm.s32 $0x1;
	[smem:$0x7E5] =	sst s0  }
0x47: {  	s0 =	sadd.s32 s8, s2;
	s8 =	sadd.s32 s9, s2;
	s9 =	sadd.s32 s7, s2  }
.LBB2_1:
0x48: {  	s2 =	sld [smem:$0x7E5];
	_ =	sdelay $0x1  }
0x49: {  	s7 =	simm.s32 $0x9  }
0x4a: {  	[tilespmem:s1], [sflag:$0x9] =	stream.linear.gather [hbm4b:s2+s1], $0x7000, $0x38;
	v63 =	vld [tilespmem:$0x0]  }
0x4b: {  	_ =	swait.ge [sflag:s7], $0x7000  }
0x4c: {  	p0 =	por $0x1, $0x1;
	[sflag:s7] =	ssyncset.done $0x0  }
0x4d: {  	s2 =	simm.s32 @!p0 $0x5;
	[sflag:s7] =	ssyncadd.s32 $0xFFFF9000  }
0x4e: {  	_ =	swait.ge @!p0 [sflag:s2], $0x6400  }
0x4f: {  	[sflag:s2] =	ssyncset.done @!p0 $0x0  }
0x50: {  	s10 =	simm.s32 $0x0;
	[sflag:s2] =	ssyncadd.s32 @!p0 $0xFFFF9C00  }
0x51: {  	[tilespmem:s12], [sflag:$0x1] =	stream.indirect.gather [hbm4b:s3+s11], $0x20, s10, s11, $0xb8;
	v63 =	vld [tilespmem:$0x0]  }
0x52: {  	s20 =	simm.s32 $0x38;
	s7 =	rddreg [dreg:$0x3]  }
0x53: {  	[tilespmem:s7], [sflag:$0x1] =	stream.indirect.gather [hbm4b:s3+s11], $0x20, s20, s11, $0xb8;
	v63 =	vld [tilespmem:$0x0]  }
0x54: {  	s26 =	simm.s32 $0x70;
	s25 =	rddreg [dreg:$0x4]  }
0x55: {  	[tilespmem:s25], [sflag:$0x1] =	stream.indirect.gather [hbm4b:s3+s11], $0x20, s26, s11, $0xb8;
	v63 =	vld [tilespmem:$0x0]  }
0x56: {  	s5 =	simm.s32 $0xA8;
	s4 =	rddreg [dreg:$0x5]  }
0x57: {  	[tilespmem:s4], [sflag:$0x1] =	stream.indirect.gather [hbm4b:s3+s11], $0x20, s5, s11, $0xb8;
	v63 =	vld [tilespmem:$0x0]  }
0x58: {  	s10 =	rddreg [dreg:$0x6];
	s20 =	simm.s32 $0xE0  }
0x59: {  	[tilespmem:s10], [sflag:$0x1] =	stream.indirect.gather [hbm4b:s3+s11], $0x20, s20, s11, $0xb8;
	v63 =	vld [tilespmem:$0x0]  }
0x5a: {  	s26 =	rddreg [dreg:$0x7];
	s4 =	simm.s32 $0x118  }
0x5b: {  	[tilespmem:s26], [sflag:$0x1] =	stream.indirect.gather [hbm4b:s3+s11], $0x20, s4, s11, $0xb8;
	v63 =	vld [tilespmem:$0x0]  }
0x5c: {  	s5 =	rddreg [dreg:$0x8];
	s10 =	simm.s32 $0x150  }
0x5d: {  	[tilespmem:s5], [sflag:$0x1] =	stream.indirect.gather [hbm4b:s3+s11], $0x20, s10, s11, $0xb8;
	v63 =	vld [tilespmem:$0x0]  }
0x5e: {  	s25 =	simm.s32 $0x188;
	s20 =	rddreg [dreg:$0x9]  }
0x5f: {  	[tilespmem:s20], [sflag:$0x1] =	stream.indirect.gather [hbm4b:s3+s11], $0x20, s25, s11, $0xb8;
	v63 =	vld [tilespmem:$0x0]  }
0x60: {  	s26 =	rddreg [dreg:$0xa];
	s4 =	simm.s32 $0x1C0  }
0x61: {  	[tilespmem:s26], [sflag:$0x1] =	stream.indirect.gather [hbm4b:s3+s11], $0x20, s4, s11, $0xb8;
	v63 =	vld [tilespmem:$0x0]  }
0x62: {  	s5 =	rddreg [dreg:$0xb];
	s10 =	simm.s32 $0x1F8  }
0x63: {  	[tilespmem:s5], [sflag:$0x1] =	stream.indirect.gather [hbm4b:s3+s11], $0x20, s10, s11, $0xb8;
	v63 =	vld [tilespmem:$0x0]  }
0x64: {  	s20 =	rddreg [dreg:$0xc];
	s26 =	simm.s32 $0x230  }
0x65: {  	[tilespmem:s20], [sflag:$0x1] =	stream.indirect.gather [hbm4b:s3+s11], $0x20, s26, s11, $0xb8;
	v63 =	vld [tilespmem:$0x0]  }
0x66: {  	s4 =	rddreg [dreg:$0xd];
	s5 =	simm.s32 $0x268  }
0x67: {  	[tilespmem:s4], [sflag:$0x1] =	stream.indirect.gather [hbm4b:s3+s11], $0x20, s5, s11, $0xb8;
	v63 =	vld [tilespmem:$0x0]  }
0x68: {  	s10 =	rddreg [dreg:$0xe];
	s20 =	simm.s32 $0x2A0  }
0x69: {  	[tilespmem:s10], [sflag:$0x1] =	stream.indirect.gather [hbm4b:s3+s11], $0x20, s20, s11, $0xb8;
	v63 =	vld [tilespmem:$0x0]  }
0x6a: {  	s26 =	rddreg [dreg:$0xf];
	s4 =	simm.s32 $0x2D8  }
0x6b: {  	[tilespmem:s26], [sflag:$0x1] =	stream.indirect.gather [hbm4b:s3+s11], $0x20, s4, s11, $0xb8;
	v63 =	vld [tilespmem:$0x0]  }
0x6c: {  	s5 =	rddreg [dreg:$0x10];
	s10 =	simm.s32 $0x310  }
0x6d: {  	[tilespmem:s5], [sflag:$0x1] =	stream.indirect.gather [hbm4b:s3+s11], $0x20, s10, s11, $0xb8;
	v63 =	vld [tilespmem:$0x0]  }
0x6e: {  	s25 =	simm.s32 @!p0 $0x6;
	s20 =	rddreg [dreg:$0x11];
	s26 =	simm.s32 $0x348  }
0x6f: {  	[tilespmem:s20], [sflag:$0x1] =	stream.indirect.gather [hbm4b:s3+s11], $0x20, s26, s11, $0xb8;
	v63 =	vld [tilespmem:$0x0]  }
0x70: {  	_ =	swait.ge @!p0 [sflag:s25], $0x6400  }
0x71: {  	[sflag:s25] =	ssyncset.done @!p0 $0x0  }
0x72: {  	s4 =	simm.s32 $0x380;
	s5 =	rddreg [dreg:$0x12];
	[sflag:s25] =	ssyncadd.s32 @!p0 $0xFFFF9C00  }
0x73: {  	[tilespmem:s13], [sflag:$0x2] =	stream.indirect.gather [hbm4b:s3+s11], $0x20, s4, s11, $0xb8;
	v63 =	vld [tilespmem:$0x0]  }
0x74: {  	s10 =	simm.s32 $0x3B8;
	s20 =	rddreg [dreg:$0x13]  }
0x75: {  	[tilespmem:s5], [sflag:$0x2] =	stream.indirect.gather [hbm4b:s3+s11], $0x20, s10, s11, $0xb8;
	v63 =	vld [tilespmem:$0x0]  }
0x76: {  	s26 =	simm.s32 $0x3F0;
	s4 =	rddreg [dreg:$0x14]  }
0x77: {  	[tilespmem:s20], [sflag:$0x2] =	stream.indirect.gather [hbm4b:s3+s11], $0x20, s26, s11, $0xb8;
	v63 =	vld [tilespmem:$0x0]  }
0x78: {  	s5 =	simm.s32 $0x428;
	s10 =	rddreg [dreg:$0x15]  }
0x79: {  	[tilespmem:s4], [sflag:$0x2] =	stream.indirect.gather [hbm4b:s3+s11], $0x20, s5, s11, $0xb8;
	v63 =	vld [tilespmem:$0x0]  }
0x7a: {  	s20 =	simm.s32 $0x460;
	s26 =	rddreg [dreg:$0x16]  }
0x7b: {  	[tilespmem:s10], [sflag:$0x2] =	stream.indirect.gather [hbm4b:s3+s11], $0x20, s20, s11, $0xb8;
	v63 =	vld [tilespmem:$0x0]  }
0x7c: {  	s4 =	simm.s32 $0x498;
	s5 =	rddreg [dreg:$0x17]  }
0x7d: {  	[tilespmem:s26], [sflag:$0x2] =	stream.indirect.gather [hbm4b:s3+s11], $0x20, s4, s11, $0xb8;
	v63 =	vld [tilespmem:$0x0]  }
0x7e: {  	s10 =	simm.s32 $0x4D0;
	s20 =	rddreg [dreg:$0x18]  }
0x7f: {  	[tilespmem:s5], [sflag:$0x2] =	stream.indirect.gather [hbm4b:s3+s11], $0x20, s10, s11, $0xb8;
	v63 =	vld [tilespmem:$0x0]  }
0x80: {  	s25 =	simm.s32 $0x508;
	s26 =	rddreg [dreg:$0x19]  }
0x81: {  	[tilespmem:s20], [sflag:$0x2] =	stream.indirect.gather [hbm4b:s3+s11], $0x20, s25, s11, $0xb8;
	v63 =	vld [tilespmem:$0x0]  }
0x82: {  	s4 =	simm.s32 $0x540;
	s5 =	rddreg [dreg:$0x1a]  }
0x83: {  	[tilespmem:s26], [sflag:$0x2] =	stream.indirect.gather [hbm4b:s3+s11], $0x20, s4, s11, $0xb8;
	v63 =	vld [tilespmem:$0x0]  }
0x84: {  	s10 =	simm.s32 $0x578;
	s20 =	rddreg [dreg:$0x1b]  }
0x85: {  	[tilespmem:s5], [sflag:$0x2] =	stream.indirect.gather [hbm4b:s3+s11], $0x20, s10, s11, $0xb8;
	v63 =	vld [tilespmem:$0x0]  }
0x86: {  	s26 =	simm.s32 $0x5B0;
	s4 =	rddreg [dreg:$0x1c]  }
0x87: {  	[tilespmem:s20], [sflag:$0x2] =	stream.indirect.gather [hbm4b:s3+s11], $0x20, s26, s11, $0xb8;
	v63 =	vld [tilespmem:$0x0]  }
0x88: {  	s5 =	simm.s32 $0x5E8;
	s10 =	rddreg [dreg:$0x1d]  }
0x89: {  	[tilespmem:s4], [sflag:$0x2] =	stream.indirect.gather [hbm4b:s3+s11], $0x20, s5, s11, $0xb8;
	v63 =	vld [tilespmem:$0x0]  }
0x8a: {  	s20 =	simm.s32 $0x620;
	s26 =	rddreg [dreg:$0x1e]  }
0x8b: {  	[tilespmem:s10], [sflag:$0x2] =	stream.indirect.gather [hbm4b:s3+s11], $0x20, s20, s11, $0xb8;
	v63 =	vld [tilespmem:$0x0]  }
0x8c: {  	s4 =	simm.s32 $0x658;
	s5 =	rddreg [dreg:$0x1f]  }
0x8d: {  	[tilespmem:s26], [sflag:$0x2] =	stream.indirect.gather [hbm4b:s3+s11], $0x20, s4, s11, $0xb8;
	v63 =	vld [tilespmem:$0x0]  }
0x8e: {  	s10 =	simm.s32 $0x690;
	s20 =	sld [smem:$0x7DD]  }
0x8f: {  	[tilespmem:s5], [sflag:$0x2] =	stream.indirect.gather [hbm4b:s3+s11], $0x20, s10, s11, $0xb8;
	v63 =	vld [tilespmem:$0x0]  }
0x90: {  	s25 =	simm.s32 @!p0 $0x7;
	s26 =	simm.s32 $0x6C8  }
0x91: {  	[tilespmem:s20], [sflag:$0x2] =	stream.indirect.gather [hbm4b:s3+s11], $0x20, s26, s11, $0xb8;
	v63 =	vld [tilespmem:$0x0]  }
0x92: {  	_ =	swait.ge @!p0 [sflag:s25], $0x6400  }
0x93: {  	[sflag:s25] =	ssyncset.done @!p0 $0x0  }
0x94: {  	s4 =	simm.s32 $0x700;
	s5 =	sld [smem:$0x7DE];
	[sflag:s25] =	ssyncadd.s32 @!p0 $0xFFFF9C00  }
0x95: {  	[tilespmem:s14], [sflag:$0x3] =	stream.indirect.gather [hbm4b:s3+s11], $0x20, s4, s11, $0xb8;
	v63 =	vld [tilespmem:$0x0]  }
0x96: {  	s10 =	simm.s32 $0x738;
	s20 =	sld [smem:$0x7DF]  }
0x97: {  	[tilespmem:s5], [sflag:$0x3] =	stream.indirect.gather [hbm4b:s3+s11], $0x20, s10, s11, $0xb8;
	v63 =	vld [tilespmem:$0x0]  }
0x98: {  	s26 =	simm.s32 $0x770;
	s4 =	sld [smem:$0x7E0]  }
0x99: {  	[tilespmem:s20], [sflag:$0x3] =	stream.indirect.gather [hbm4b:s3+s11], $0x20, s26, s11, $0xb8;
	v63 =	vld [tilespmem:$0x0]  }
0x9a: {  	s5 =	simm.s32 $0x7A8;
	s10 =	sld [smem:$0x7E1]  }
0x9b: {  	[tilespmem:s4], [sflag:$0x3] =	stream.indirect.gather [hbm4b:s3+s11], $0x20, s5, s11, $0xb8;
	v63 =	vld [tilespmem:$0x0]  }
0x9c: {  	s20 =	simm.s32 $0x7E0;
	s26 =	sld [smem:$0x7E2]  }
0x9d: {  	[tilespmem:s10], [sflag:$0x3] =	stream.indirect.gather [hbm4b:s3+s11], $0x20, s20, s11, $0xb8;
	v63 =	vld [tilespmem:$0x0]  }
0x9e: {  	s4 =	simm.s32 $0x818;
	s5 =	sld [smem:$0x7E3]  }
0x9f: {  	[tilespmem:s26], [sflag:$0x3] =	stream.indirect.gather [hbm4b:s3+s11], $0x20, s4, s11, $0xb8;
	v63 =	vld [tilespmem:$0x0]  }
0xa0: {  	s10 =	simm.s32 $0x850;
	s20 =	sld [smem:$0x7E4]  }
0xa1: {  	[tilespmem:s5], [sflag:$0x3] =	stream.indirect.gather [hbm4b:s3+s11], $0x20, s10, s11, $0xb8;
	v63 =	vld [tilespmem:$0x0]  }
0xa2: {  	s25 =	simm.s32 $0x888;
	s26 =	sld [smem:$0x7E6]  }
0xa3: {  	[tilespmem:s20], [sflag:$0x3] =	stream.indirect.gather [hbm4b:s3+s11], $0x20, s25, s11, $0xb8;
	v63 =	vld [tilespmem:$0x0]  }
0xa4: {  	s4 =	simm.s32 $0x8C0;
	s5 =	sld [smem:$0x7E7]  }
0xa5: {  	[tilespmem:s26], [sflag:$0x3] =	stream.indirect.gather [hbm4b:s3+s11], $0x20, s4, s11, $0xb8;
	v63 =	vld [tilespmem:$0x0]  }
0xa6: {  	s10 =	simm.s32 $0x8F8;
	s20 =	sld [smem:$0x7E9]  }
0xa7: {  	[tilespmem:s5], [sflag:$0x3] =	stream.indirect.gather [hbm4b:s3+s11], $0x20, s10, s11, $0xb8;
	v63 =	vld [tilespmem:$0x0]  }
0xa8: {  	s26 =	simm.s32 $0x930;
	s4 =	sld [smem:$0x7EA]  }
0xa9: {  	[tilespmem:s20], [sflag:$0x3] =	stream.indirect.gather [hbm4b:s3+s11], $0x20, s26, s11, $0xb8;
	v63 =	vld [tilespmem:$0x0]  }
0xaa: {  	s5 =	simm.s32 $0x968;
	s10 =	sld [smem:$0x7EB]  }
0xab: {  	[tilespmem:s4], [sflag:$0x3] =	stream.indirect.gather [hbm4b:s3+s11], $0x20, s5, s11, $0xb8;
	v63 =	vld [tilespmem:$0x0]  }
0xac: {  	s20 =	simm.s32 $0x9A0;
	s26 =	sld [smem:$0x7EC]  }
0xad: {  	[tilespmem:s10], [sflag:$0x3] =	stream.indirect.gather [hbm4b:s3+s11], $0x20, s20, s11, $0xb8;
	v63 =	vld [tilespmem:$0x0]  }
0xae: {  	s4 =	simm.s32 $0x9D8;
	s5 =	sld [smem:$0x7ED]  }
0xaf: {  	[tilespmem:s26], [sflag:$0x3] =	stream.indirect.gather [hbm4b:s3+s11], $0x20, s4, s11, $0xb8;
	v63 =	vld [tilespmem:$0x0]  }
0xb0: {  	s10 =	simm.s32 $0xA10;
	s20 =	sld [smem:$0x7EE]  }
0xb1: {  	[tilespmem:s5], [sflag:$0x3] =	stream.indirect.gather [hbm4b:s3+s11], $0x20, s10, s11, $0xb8;
	v63 =	vld [tilespmem:$0x0]  }
0xb2: {  	s25 =	simm.s32 @!p0 $0x8;
	s26 =	simm.s32 $0xA48  }
0xb3: {  	[tilespmem:s20], [sflag:$0x3] =	stream.indirect.gather [hbm4b:s3+s11], $0x20, s26, s11, $0xb8;
	v63 =	vld [tilespmem:$0x0]  }
0xb4: {  	_ =	swait.ge @!p0 [sflag:s25], $0x6400  }
0xb5: {  	[sflag:s25] =	ssyncset.done @!p0 $0x0  }
0xb6: {  	s4 =	simm.s32 $0xA80;
	s5 =	sld [smem:$0x7EF];
	[sflag:s25] =	ssyncadd.s32 @!p0 $0xFFFF9C00  }
0xb7: {  	[tilespmem:s15], [sflag:$0x4] =	stream.indirect.gather [hbm4b:s3+s11], $0x20, s4, s11, $0xb8;
	v63 =	vld [tilespmem:$0x0]  }
0xb8: {  	s10 =	simm.s32 $0xAB8;
	s20 =	sld [smem:$0x7F0]  }
0xb9: {  	[tilespmem:s5], [sflag:$0x4] =	stream.indirect.gather [hbm4b:s3+s11], $0x20, s10, s11, $0xb8;
	v63 =	vld [tilespmem:$0x0]  }
0xba: {  	s26 =	simm.s32 $0xAF0;
	s4 =	sld [smem:$0x7F1]  }
0xbb: {  	[tilespmem:s20], [sflag:$0x4] =	stream.indirect.gather [hbm4b:s3+s11], $0x20, s26, s11, $0xb8;
	v63 =	vld [tilespmem:$0x0]  }
0xbc: {  	s5 =	simm.s32 $0xB28;
	s10 =	sld [smem:$0x7F2]  }
0xbd: {  	[tilespmem:s4], [sflag:$0x4] =	stream.indirect.gather [hbm4b:s3+s11], $0x20, s5, s11, $0xb8;
	v63 =	vld [tilespmem:$0x0]  }
0xbe: {  	s20 =	simm.s32 $0xB60;
	s26 =	sld [smem:$0x7F3]  }
0xbf: {  	[tilespmem:s10], [sflag:$0x4] =	stream.indirect.gather [hbm4b:s3+s11], $0x20, s20, s11, $0xb8;
	v63 =	vld [tilespmem:$0x0]  }
0xc0: {  	s4 =	simm.s32 $0xB98;
	s5 =	sld [smem:$0x7F4]  }
0xc1: {  	[tilespmem:s26], [sflag:$0x4] =	stream.indirect.gather [hbm4b:s3+s11], $0x20, s4, s11, $0xb8;
	v63 =	vld [tilespmem:$0x0]  }
0xc2: {  	s10 =	simm.s32 $0xBD0;
	s20 =	sld [smem:$0x7F5]  }
0xc3: {  	[tilespmem:s5], [sflag:$0x4] =	stream.indirect.gather [hbm4b:s3+s11], $0x20, s10, s11, $0xb8;
	v63 =	vld [tilespmem:$0x0]  }
0xc4: {  	s25 =	simm.s32 $0xC08;
	s26 =	sld [smem:$0x7F6]  }
0xc5: {  	[tilespmem:s20], [sflag:$0x4] =	stream.indirect.gather [hbm4b:s3+s11], $0x20, s25, s11, $0xb8;
	v63 =	vld [tilespmem:$0x0]  }
0xc6: {  	s4 =	simm.s32 $0xC40;
	s5 =	sld [smem:$0x7F7]  }
0xc7: {  	[tilespmem:s26], [sflag:$0x4] =	stream.indirect.gather [hbm4b:s3+s11], $0x20, s4, s11, $0xb8;
	v63 =	vld [tilespmem:$0x0]  }
0xc8: {  	s10 =	simm.s32 $0xC78;
	s20 =	sld [smem:$0x7F8]  }
0xc9: {  	[tilespmem:s5], [sflag:$0x4] =	stream.indirect.gather [hbm4b:s3+s11], $0x20, s10, s11, $0xb8;
	v63 =	vld [tilespmem:$0x0]  }
0xca: {  	s26 =	simm.s32 $0xCB0;
	s4 =	sld [smem:$0x7F9]  }
0xcb: {  	[tilespmem:s20], [sflag:$0x4] =	stream.indirect.gather [hbm4b:s3+s11], $0x20, s26, s11, $0xb8;
	v63 =	vld [tilespmem:$0x0]  }
0xcc: {  	s5 =	simm.s32 $0xCE8;
	s10 =	sld [smem:$0x7FA]  }
0xcd: {  	[tilespmem:s4], [sflag:$0x4] =	stream.indirect.gather [hbm4b:s3+s11], $0x20, s5, s11, $0xb8;
	v63 =	vld [tilespmem:$0x0]  }
0xce: {  	s20 =	simm.s32 $0xD20;
	s26 =	sld [smem:$0x7FB]  }
0xcf: {  	[tilespmem:s10], [sflag:$0x4] =	stream.indirect.gather [hbm4b:s3+s11], $0x20, s20, s11, $0xb8;
	v63 =	vld [tilespmem:$0x0]  }
0xd0: {  	s4 =	simm.s32 $0xD58;
	s5 =	sld [smem:$0x7FC]  }
0xd1: {  	[tilespmem:s26], [sflag:$0x4] =	stream.indirect.gather [hbm4b:s3+s11], $0x20, s4, s11, $0xb8;
	v63 =	vld [tilespmem:$0x0]  }
0xd2: {  	s10 =	simm.s32 $0xD90;
	s20 =	sld [smem:$0x7FD]  }
0xd3: {  	[tilespmem:s5], [sflag:$0x4] =	stream.indirect.gather [hbm4b:s3+s11], $0x20, s10, s11, $0xb8;
	v63 =	vld [tilespmem:$0x0]  }
0xd4: {  	s26 =	simm.s32 $0xDC8  }
0xd5: {  	[tilespmem:s20], [sflag:$0x4] =	stream.indirect.gather [hbm4b:s3+s11], $0x20, s26, s11, $0xb8;
	v63 =	vld [tilespmem:$0x0]  }
0xd6: {  	_ =	swait.ge [sflag:s16], $0x640  }
0xd7: {  	[sflag:s16] =	ssyncset.done $0x0  }
0xd8: {  	[sflag:s16] =	ssyncadd.s32 $0xFFFFF9C0  }
0xd9: {  	_ =	swait.ge [sflag:s16], $0x640  }
0xda: {  	[sflag:s16] =	ssyncset.done $0x0  }
0xdb: {  	[sflag:s16] =	ssyncadd.s32 $0xFFFFF9C0  }
0xdc: {  	_ =	swait.ge [sflag:s16], $0x640  }
0xdd: {  	[sflag:s16] =	ssyncset.done $0x0  }
0xde: {  	[sflag:s16] =	ssyncadd.s32 $0xFFFFF9C0  }
0xdf: {  	_ =	swait.ge [sflag:s16], $0x640  }
0xe0: {  	[sflag:s16] =	ssyncset.done $0x0  }
0xe1: {  	[sflag:s16] =	ssyncadd.s32 $0xFFFFF9C0  }
0xe2: {  	_ =	swait.ge [sflag:s16], $0x640  }
0xe3: {  	[sflag:s16] =	ssyncset.done $0x0  }
0xe4: {  	[sflag:s16] =	ssyncadd.s32 $0xFFFFF9C0  }
0xe5: {  	_ =	swait.ge [sflag:s16], $0x640  }
0xe6: {  	[sflag:s16] =	ssyncset.done $0x0  }
0xe7: {  	[sflag:s16] =	ssyncadd.s32 $0xFFFFF9C0  }
0xe8: {  	_ =	swait.ge [sflag:s16], $0x640  }
0xe9: {  	[sflag:s16] =	ssyncset.done $0x0  }
0xea: {  	[sflag:s16] =	ssyncadd.s32 $0xFFFFF9C0  }
0xeb: {  	_ =	swait.ge [sflag:s16], $0x640  }
0xec: {  	[sflag:s16] =	ssyncset.done $0x0  }
0xed: {  	[sflag:s16] =	ssyncadd.s32 $0xFFFFF9C0  }
0xee: {  	_ =	swait.ge [sflag:s16], $0x640  }
0xef: {  	[sflag:s16] =	ssyncset.done $0x0  }
0xf0: {  	[sflag:s16] =	ssyncadd.s32 $0xFFFFF9C0  }
0xf1: {  	_ =	swait.ge [sflag:s16], $0x640  }
0xf2: {  	[sflag:s16] =	ssyncset.done $0x0  }
0xf3: {  	[sflag:s16] =	ssyncadd.s32 $0xFFFFF9C0  }
0xf4: {  	_ =	swait.ge [sflag:s16], $0x640  }
0xf5: {  	[sflag:s16] =	ssyncset.done $0x0  }
0xf6: {  	[sflag:s16] =	ssyncadd.s32 $0xFFFFF9C0  }
0xf7: {  	_ =	swait.ge [sflag:s16], $0x640  }
0xf8: {  	[sflag:s16] =	ssyncset.done $0x0  }
0xf9: {  	[sflag:s16] =	ssyncadd.s32 $0xFFFFF9C0  }
0xfa: {  	_ =	swait.ge [sflag:s16], $0x640  }
0xfb: {  	[sflag:s16] =	ssyncset.done $0x0  }
0xfc: {  	[sflag:s16] =	ssyncadd.s32 $0xFFFFF9C0  }
0xfd: {  	_ =	swait.ge [sflag:s16], $0x640  }
0xfe: {  	[sflag:s16] =	ssyncset.done $0x0  }
0xff: {  	[sflag:s16] =	ssyncadd.s32 $0xFFFFF9C0  }
0x100: {  	_ =	swait.ge [sflag:s16], $0x640  }
0x101: {  	[sflag:s16] =	ssyncset.done $0x0  }
0x102: {  	[sflag:s16] =	ssyncadd.s32 $0xFFFFF9C0  }
0x103: {  	_ =	swait.ge [sflag:s16], $0x640  }
0x104: {  	[sflag:s16] =	ssyncset.done $0x0  }
0x105: {  	[sflag:s16] =	ssyncadd.s32 $0xFFFFF9C0  }
0x106: {  	[hbm4b:s6+s1] =	stream.linear.scatter [tilespmem:s12], [sflag:$0x5], $0x6400, $0x38;
	v63 =	vld [tilespmem:$0x0]  }
0x107: {  	_ =	swait.ge [sflag:s17], $0x640  }
0x108: {  	[sflag:s17] =	ssyncset.done $0x0  }
0x109: {  	[sflag:s17] =	ssyncadd.s32 $0xFFFFF9C0  }
0x10a: {  	_ =	swait.ge [sflag:s17], $0x640  }
0x10b: {  	[sflag:s17] =	ssyncset.done $0x0  }
0x10c: {  	[sflag:s17] =	ssyncadd.s32 $0xFFFFF9C0  }
0x10d: {  	_ =	swait.ge [sflag:s17], $0x640  }
0x10e: {  	[sflag:s17] =	ssyncset.done $0x0  }
0x10f: {  	[sflag:s17] =	ssyncadd.s32 $0xFFFFF9C0  }
0x110: {  	_ =	swait.ge [sflag:s17], $0x640  }
0x111: {  	[sflag:s17] =	ssyncset.done $0x0  }
0x112: {  	[sflag:s17] =	ssyncadd.s32 $0xFFFFF9C0  }
0x113: {  	_ =	swait.ge [sflag:s17], $0x640  }
0x114: {  	[sflag:s17] =	ssyncset.done $0x0  }
0x115: {  	[sflag:s17] =	ssyncadd.s32 $0xFFFFF9C0  }
0x116: {  	_ =	swait.ge [sflag:s17], $0x640  }
0x117: {  	[sflag:s17] =	ssyncset.done $0x0  }
0x118: {  	[sflag:s17] =	ssyncadd.s32 $0xFFFFF9C0  }
0x119: {  	_ =	swait.ge [sflag:s17], $0x640  }
0x11a: {  	[sflag:s17] =	ssyncset.done $0x0  }
0x11b: {  	[sflag:s17] =	ssyncadd.s32 $0xFFFFF9C0  }
0x11c: {  	_ =	swait.ge [sflag:s17], $0x640  }
0x11d: {  	[sflag:s17] =	ssyncset.done $0x0  }
0x11e: {  	[sflag:s17] =	ssyncadd.s32 $0xFFFFF9C0  }
0x11f: {  	_ =	swait.ge [sflag:s17], $0x640  }
0x120: {  	[sflag:s17] =	ssyncset.done $0x0  }
0x121: {  	[sflag:s17] =	ssyncadd.s32 $0xFFFFF9C0  }
0x122: {  	_ =	swait.ge [sflag:s17], $0x640  }
0x123: {  	[sflag:s17] =	ssyncset.done $0x0  }
0x124: {  	[sflag:s17] =	ssyncadd.s32 $0xFFFFF9C0  }
0x125: {  	_ =	swait.ge [sflag:s17], $0x640  }
0x126: {  	[sflag:s17] =	ssyncset.done $0x0  }
0x127: {  	[sflag:s17] =	ssyncadd.s32 $0xFFFFF9C0  }
0x128: {  	_ =	swait.ge [sflag:s17], $0x640  }
0x129: {  	[sflag:s17] =	ssyncset.done $0x0  }
0x12a: {  	[sflag:s17] =	ssyncadd.s32 $0xFFFFF9C0  }
0x12b: {  	_ =	swait.ge [sflag:s17], $0x640  }
0x12c: {  	[sflag:s17] =	ssyncset.done $0x0  }
0x12d: {  	[sflag:s17] =	ssyncadd.s32 $0xFFFFF9C0  }
0x12e: {  	_ =	swait.ge [sflag:s17], $0x640  }
0x12f: {  	[sflag:s17] =	ssyncset.done $0x0  }
0x130: {  	[sflag:s17] =	ssyncadd.s32 $0xFFFFF9C0  }
0x131: {  	_ =	swait.ge [sflag:s17], $0x640  }
0x132: {  	[sflag:s17] =	ssyncset.done $0x0  }
0x133: {  	[sflag:s17] =	ssyncadd.s32 $0xFFFFF9C0  }
0x134: {  	_ =	swait.ge [sflag:s17], $0x640  }
0x135: {  	[sflag:s17] =	ssyncset.done $0x0  }
0x136: {  	[sflag:s17] =	ssyncadd.s32 $0xFFFFF9C0  }
0x137: {  	[hbm4b:s9+s1] =	stream.linear.scatter [tilespmem:s13], [sflag:$0x6], $0x6400, $0x38;
	v63 =	vld [tilespmem:$0x0]  }
0x138: {  	_ =	swait.ge [sflag:s18], $0x640  }
0x139: {  	[sflag:s18] =	ssyncset.done $0x0  }
0x13a: {  	[sflag:s18] =	ssyncadd.s32 $0xFFFFF9C0  }
0x13b: {  	_ =	swait.ge [sflag:s18], $0x640  }
0x13c: {  	[sflag:s18] =	ssyncset.done $0x0  }
0x13d: {  	[sflag:s18] =	ssyncadd.s32 $0xFFFFF9C0  }
0x13e: {  	_ =	swait.ge [sflag:s18], $0x640  }
0x13f: {  	[sflag:s18] =	ssyncset.done $0x0  }
0x140: {  	[sflag:s18] =	ssyncadd.s32 $0xFFFFF9C0  }
0x141: {  	_ =	swait.ge [sflag:s18], $0x640  }
0x142: {  	[sflag:s18] =	ssyncset.done $0x0  }
0x143: {  	[sflag:s18] =	ssyncadd.s32 $0xFFFFF9C0  }
0x144: {  	_ =	swait.ge [sflag:s18], $0x640  }
0x145: {  	[sflag:s18] =	ssyncset.done $0x0  }
0x146: {  	[sflag:s18] =	ssyncadd.s32 $0xFFFFF9C0  }
0x147: {  	_ =	swait.ge [sflag:s18], $0x640  }
0x148: {  	[sflag:s18] =	ssyncset.done $0x0  }
0x149: {  	[sflag:s18] =	ssyncadd.s32 $0xFFFFF9C0  }
0x14a: {  	_ =	swait.ge [sflag:s18], $0x640  }
0x14b: {  	[sflag:s18] =	ssyncset.done $0x0  }
0x14c: {  	[sflag:s18] =	ssyncadd.s32 $0xFFFFF9C0  }
0x14d: {  	_ =	swait.ge [sflag:s18], $0x640  }
0x14e: {  	[sflag:s18] =	ssyncset.done $0x0  }
0x14f: {  	[sflag:s18] =	ssyncadd.s32 $0xFFFFF9C0  }
0x150: {  	_ =	swait.ge [sflag:s18], $0x640  }
0x151: {  	[sflag:s18] =	ssyncset.done $0x0  }
0x152: {  	[sflag:s18] =	ssyncadd.s32 $0xFFFFF9C0  }
0x153: {  	_ =	swait.ge [sflag:s18], $0x640  }
0x154: {  	[sflag:s18] =	ssyncset.done $0x0  }
0x155: {  	[sflag:s18] =	ssyncadd.s32 $0xFFFFF9C0  }
0x156: {  	_ =	swait.ge [sflag:s18], $0x640  }
0x157: {  	[sflag:s18] =	ssyncset.done $0x0  }
0x158: {  	[sflag:s18] =	ssyncadd.s32 $0xFFFFF9C0  }
0x159: {  	_ =	swait.ge [sflag:s18], $0x640  }
0x15a: {  	[sflag:s18] =	ssyncset.done $0x0  }
0x15b: {  	[sflag:s18] =	ssyncadd.s32 $0xFFFFF9C0  }
0x15c: {  	_ =	swait.ge [sflag:s18], $0x640  }
0x15d: {  	[sflag:s18] =	ssyncset.done $0x0  }
0x15e: {  	[sflag:s18] =	ssyncadd.s32 $0xFFFFF9C0  }
0x15f: {  	_ =	swait.ge [sflag:s18], $0x640  }
0x160: {  	[sflag:s18] =	ssyncset.done $0x0  }
0x161: {  	[sflag:s18] =	ssyncadd.s32 $0xFFFFF9C0  }
0x162: {  	_ =	swait.ge [sflag:s18], $0x640  }
0x163: {  	[sflag:s18] =	ssyncset.done $0x0  }
0x164: {  	[sflag:s18] =	ssyncadd.s32 $0xFFFFF9C0  }
0x165: {  	_ =	swait.ge [sflag:s18], $0x640  }
0x166: {  	[sflag:s18] =	ssyncset.done $0x0  }
0x167: {  	[sflag:s18] =	ssyncadd.s32 $0xFFFFF9C0  }
0x168: {  	[hbm4b:s8+s1] =	stream.linear.scatter [tilespmem:s14], [sflag:$0x7], $0x6400, $0x38;
	v63 =	vld [tilespmem:$0x0]  }
0x169: {  	_ =	swait.ge [sflag:s19], $0x640  }
0x16a: {  	[sflag:s19] =	ssyncset.done $0x0  }
0x16b: {  	[sflag:s19] =	ssyncadd.s32 $0xFFFFF9C0  }
0x16c: {  	_ =	swait.ge [sflag:s19], $0x640  }
0x16d: {  	[sflag:s19] =	ssyncset.done $0x0  }
0x16e: {  	[sflag:s19] =	ssyncadd.s32 $0xFFFFF9C0  }
0x16f: {  	_ =	swait.ge [sflag:s19], $0x640  }
0x170: {  	[sflag:s19] =	ssyncset.done $0x0  }
0x171: {  	[sflag:s19] =	ssyncadd.s32 $0xFFFFF9C0  }
0x172: {  	_ =	swait.ge [sflag:s19], $0x640  }
0x173: {  	[sflag:s19] =	ssyncset.done $0x0  }
0x174: {  	[sflag:s19] =	ssyncadd.s32 $0xFFFFF9C0  }
0x175: {  	_ =	swait.ge [sflag:s19], $0x640  }
0x176: {  	[sflag:s19] =	ssyncset.done $0x0  }
0x177: {  	[sflag:s19] =	ssyncadd.s32 $0xFFFFF9C0  }
0x178: {  	_ =	swait.ge [sflag:s19], $0x640  }
0x179: {  	[sflag:s19] =	ssyncset.done $0x0  }
0x17a: {  	[sflag:s19] =	ssyncadd.s32 $0xFFFFF9C0  }
0x17b: {  	_ =	swait.ge [sflag:s19], $0x640  }
0x17c: {  	[sflag:s19] =	ssyncset.done $0x0  }
0x17d: {  	[sflag:s19] =	ssyncadd.s32 $0xFFFFF9C0  }
0x17e: {  	_ =	swait.ge [sflag:s19], $0x640  }
0x17f: {  	[sflag:s19] =	ssyncset.done $0x0  }
0x180: {  	[sflag:s19] =	ssyncadd.s32 $0xFFFFF9C0  }
0x181: {  	_ =	swait.ge [sflag:s19], $0x640  }
0x182: {  	[sflag:s19] =	ssyncset.done $0x0  }
0x183: {  	[sflag:s19] =	ssyncadd.s32 $0xFFFFF9C0  }
0x184: {  	_ =	swait.ge [sflag:s19], $0x640  }
0x185: {  	[sflag:s19] =	ssyncset.done $0x0  }
0x186: {  	[sflag:s19] =	ssyncadd.s32 $0xFFFFF9C0  }
0x187: {  	_ =	swait.ge [sflag:s19], $0x640  }
0x188: {  	[sflag:s19] =	ssyncset.done $0x0  }
0x189: {  	[sflag:s19] =	ssyncadd.s32 $0xFFFFF9C0  }
0x18a: {  	_ =	swait.ge [sflag:s19], $0x640  }
0x18b: {  	[sflag:s19] =	ssyncset.done $0x0  }
0x18c: {  	[sflag:s19] =	ssyncadd.s32 $0xFFFFF9C0  }
0x18d: {  	_ =	swait.ge [sflag:s19], $0x640  }
0x18e: {  	[sflag:s19] =	ssyncset.done $0x0  }
0x18f: {  	[sflag:s19] =	ssyncadd.s32 $0xFFFFF9C0  }
0x190: {  	_ =	swait.ge [sflag:s19], $0x640  }
0x191: {  	[sflag:s19] =	ssyncset.done $0x0  }
0x192: {  	[sflag:s19] =	ssyncadd.s32 $0xFFFFF9C0  }
0x193: {  	_ =	swait.ge [sflag:s19], $0x640  }
0x194: {  	s30 =	simm.s32 $0x3800;
	s31 =	simm.s32 $0x7000;
	[sflag:s19] =	ssyncset.done $0x0  }
0x195: {  	s28 =	sadd.s32 $0x3200, s9;
	p1 =	por $0x0, $0x0;
	[sflag:s19] =	ssyncadd.s32 $0xFFFFF9C0  }
0x196: {  	s29 =	sadd.s32 $0x3200, s6;
	s7 =	smov.u32 s0;
	_ =	swait.ge [sflag:s19], $0x640  }
0x197: {  	s25 =	sadd.s32 $0x3200, s0;
	s26 =	sadd.s32 $0x3200, s8;
	[sflag:s19] =	ssyncset.done $0x0  }
.LBB2_2:
0x198: {  	s2 =	simm.s32 @!p1 $0x5;
	[sflag:s19] =	ssyncadd.s32 $0xFFFFF9C0  }
0x199: {  	[hbm4b:s7+s1] =	stream.linear.scatter [tilespmem:s15], [sflag:$0x8], $0x6400, $0x38;
	v63 =	vld [tilespmem:$0x0]  }
0x19a: {  	_ =	swait.ge @!p1 [sflag:s2], $0x6400  }
0x19b: {  	[sflag:s2] =	ssyncset.done @!p1 $0x0  }
0x19c: {  	[sflag:s2] =	ssyncadd.s32 @!p1 $0xFFFF9C00;
	s2 =	sshra.s32 s30, $0x2  }
0x19d: {  	[tilespmem:s12], [sflag:$0x1] =	stream.indirect.gather [hbm4b:s3+s11], $0x20, s2, s11, $0xb8;
	v63 =	vld [tilespmem:$0x0]  }
0x19e: {  	s5 =	rddreg [dreg:$0x3];
	s10 =	sadd.s32 $0x38, s2  }
0x19f: {  	[tilespmem:s5], [sflag:$0x1] =	stream.indirect.gather [hbm4b:s3+s11], $0x20, s10, s11, $0xb8;
	v63 =	vld [tilespmem:$0x0]  }
0x1a0: {  	s20 =	rddreg [dreg:$0x4];
	s10 =	sadd.s32 $0x70, s2  }
0x1a1: {  	[tilespmem:s20], [sflag:$0x1] =	stream.indirect.gather [hbm4b:s3+s11], $0x20, s10, s11, $0xb8;
	v63 =	vld [tilespmem:$0x0]  }
0x1a2: {  	s5 =	rddreg [dreg:$0x5];
	s20 =	sadd.s32 $0xA8, s2  }
0x1a3: {  	[tilespmem:s5], [sflag:$0x1] =	stream.indirect.gather [hbm4b:s3+s11], $0x20, s20, s11, $0xb8;
	v63 =	vld [tilespmem:$0x0]  }
0x1a4: {  	s10 =	rddreg [dreg:$0x6];
	s20 =	sadd.s32 $0xE0, s2  }
0x1a5: {  	[tilespmem:s10], [sflag:$0x1] =	stream.indirect.gather [hbm4b:s3+s11], $0x20, s20, s11, $0xb8;
	v63 =	vld [tilespmem:$0x0]  }
0x1a6: {  	s5 =	rddreg [dreg:$0x7];
	s20 =	sadd.s32 $0x118, s2  }
0x1a7: {  	[tilespmem:s5], [sflag:$0x1] =	stream.indirect.gather [hbm4b:s3+s11], $0x20, s20, s11, $0xb8;
	v63 =	vld [tilespmem:$0x0]  }
0x1a8: {  	s10 =	rddreg [dreg:$0x8];
	s20 =	sadd.s32 $0x150, s2  }
0x1a9: {  	[tilespmem:s10], [sflag:$0x1] =	stream.indirect.gather [hbm4b:s3+s11], $0x20, s20, s11, $0xb8;
	v63 =	vld [tilespmem:$0x0]  }
0x1aa: {  	s5 =	rddreg [dreg:$0x9];
	s20 =	sadd.s32 $0x188, s2  }
0x1ab: {  	[tilespmem:s5], [sflag:$0x1] =	stream.indirect.gather [hbm4b:s3+s11], $0x20, s20, s11, $0xb8;
	v63 =	vld [tilespmem:$0x0]  }
0x1ac: {  	s10 =	rddreg [dreg:$0xa];
	s20 =	sadd.s32 $0x1C0, s2  }
0x1ad: {  	[tilespmem:s10], [sflag:$0x1] =	stream.indirect.gather [hbm4b:s3+s11], $0x20, s20, s11, $0xb8;
	v63 =	vld [tilespmem:$0x0]  }
0x1ae: {  	s5 =	rddreg [dreg:$0xb];
	s20 =	sadd.s32 $0x1F8, s2  }
0x1af: {  	[tilespmem:s5], [sflag:$0x1] =	stream.indirect.gather [hbm4b:s3+s11], $0x20, s20, s11, $0xb8;
	v63 =	vld [tilespmem:$0x0]  }
0x1b0: {  	s10 =	rddreg [dreg:$0xc];
	s20 =	sadd.s32 $0x230, s2  }
0x1b1: {  	[tilespmem:s10], [sflag:$0x1] =	stream.indirect.gather [hbm4b:s3+s11], $0x20, s20, s11, $0xb8;
	v63 =	vld [tilespmem:$0x0]  }
0x1b2: {  	s5 =	rddreg [dreg:$0xd];
	s20 =	sadd.s32 $0x268, s2  }
0x1b3: {  	[tilespmem:s5], [sflag:$0x1] =	stream.indirect.gather [hbm4b:s3+s11], $0x20, s20, s11, $0xb8;
	v63 =	vld [tilespmem:$0x0]  }
0x1b4: {  	s10 =	rddreg [dreg:$0xe];
	s20 =	sadd.s32 $0x2A0, s2  }
0x1b5: {  	[tilespmem:s10], [sflag:$0x1] =	stream.indirect.gather [hbm4b:s3+s11], $0x20, s20, s11, $0xb8;
	v63 =	vld [tilespmem:$0x0]  }
0x1b6: {  	s5 =	rddreg [dreg:$0xf];
	s20 =	sadd.s32 $0x2D8, s2  }
0x1b7: {  	[tilespmem:s5], [sflag:$0x1] =	stream.indirect.gather [hbm4b:s3+s11], $0x20, s20, s11, $0xb8;
	v63 =	vld [tilespmem:$0x0]  }
0x1b8: {  	s10 =	rddreg [dreg:$0x10];
	s20 =	sadd.s32 $0x310, s2  }
0x1b9: {  	[tilespmem:s10], [sflag:$0x1] =	stream.indirect.gather [hbm4b:s3+s11], $0x20, s20, s11, $0xb8;
	v63 =	vld [tilespmem:$0x0]  }
0x1ba: {  	s5 =	rddreg [dreg:$0x11];
	s20 =	sadd.s32 $0x348, s2;
	s10 =	simm.s32 @!p1 $0x6  }
0x1bb: {  	[tilespmem:s5], [sflag:$0x1] =	stream.indirect.gather [hbm4b:s3+s11], $0x20, s20, s11, $0xb8;
	v63 =	vld [tilespmem:$0x0]  }
0x1bc: {  	_ =	swait.ge @!p1 [sflag:s10], $0x6400  }
0x1bd: {  	[sflag:s10] =	ssyncset.done @!p1 $0x0  }
0x1be: {  	s5 =	rddreg [dreg:$0x12];
	[sflag:s10] =	ssyncadd.s32 @!p1 $0xFFFF9C00;
	s10 =	sadd.s32 $0x380, s2  }
0x1bf: {  	[tilespmem:s13], [sflag:$0x2] =	stream.indirect.gather [hbm4b:s3+s11], $0x20, s10, s11, $0xb8;
	v63 =	vld [tilespmem:$0x0]  }
0x1c0: {  	s20 =	sadd.s32 $0x3B8, s2;
	s10 =	rddreg [dreg:$0x13]  }
0x1c1: {  	[tilespmem:s5], [sflag:$0x2] =	stream.indirect.gather [hbm4b:s3+s11], $0x20, s20, s11, $0xb8;
	v63 =	vld [tilespmem:$0x0]  }
0x1c2: {  	s20 =	sadd.s32 $0x3F0, s2;
	s5 =	rddreg [dreg:$0x14]  }
0x1c3: {  	[tilespmem:s10], [sflag:$0x2] =	stream.indirect.gather [hbm4b:s3+s11], $0x20, s20, s11, $0xb8;
	v63 =	vld [tilespmem:$0x0]  }
0x1c4: {  	s20 =	sadd.s32 $0x428, s2;
	s10 =	rddreg [dreg:$0x15]  }
0x1c5: {  	[tilespmem:s5], [sflag:$0x2] =	stream.indirect.gather [hbm4b:s3+s11], $0x20, s20, s11, $0xb8;
	v63 =	vld [tilespmem:$0x0]  }
0x1c6: {  	s20 =	sadd.s32 $0x460, s2;
	s5 =	rddreg [dreg:$0x16]  }
0x1c7: {  	[tilespmem:s10], [sflag:$0x2] =	stream.indirect.gather [hbm4b:s3+s11], $0x20, s20, s11, $0xb8;
	v63 =	vld [tilespmem:$0x0]  }
0x1c8: {  	s20 =	sadd.s32 $0x498, s2;
	s10 =	rddreg [dreg:$0x17]  }
0x1c9: {  	[tilespmem:s5], [sflag:$0x2] =	stream.indirect.gather [hbm4b:s3+s11], $0x20, s20, s11, $0xb8;
	v63 =	vld [tilespmem:$0x0]  }
0x1ca: {  	s20 =	sadd.s32 $0x4D0, s2;
	s5 =	rddreg [dreg:$0x18]  }
0x1cb: {  	[tilespmem:s10], [sflag:$0x2] =	stream.indirect.gather [hbm4b:s3+s11], $0x20, s20, s11, $0xb8;
	v63 =	vld [tilespmem:$0x0]  }
0x1cc: {  	s20 =	sadd.s32 $0x508, s2;
	s10 =	rddreg [dreg:$0x19]  }
0x1cd: {  	[tilespmem:s5], [sflag:$0x2] =	stream.indirect.gather [hbm4b:s3+s11], $0x20, s20, s11, $0xb8;
	v63 =	vld [tilespmem:$0x0]  }
0x1ce: {  	s20 =	sadd.s32 $0x540, s2;
	s5 =	rddreg [dreg:$0x1a]  }
0x1cf: {  	[tilespmem:s10], [sflag:$0x2] =	stream.indirect.gather [hbm4b:s3+s11], $0x20, s20, s11, $0xb8;
	v63 =	vld [tilespmem:$0x0]  }
0x1d0: {  	s20 =	sadd.s32 $0x578, s2;
	s10 =	rddreg [dreg:$0x1b]  }
0x1d1: {  	[tilespmem:s5], [sflag:$0x2] =	stream.indirect.gather [hbm4b:s3+s11], $0x20, s20, s11, $0xb8;
	v63 =	vld [tilespmem:$0x0]  }
0x1d2: {  	s20 =	sadd.s32 $0x5B0, s2;
	s5 =	rddreg [dreg:$0x1c]  }
0x1d3: {  	[tilespmem:s10], [sflag:$0x2] =	stream.indirect.gather [hbm4b:s3+s11], $0x20, s20, s11, $0xb8;
	v63 =	vld [tilespmem:$0x0]  }
0x1d4: {  	s20 =	sadd.s32 $0x5E8, s2;
	s10 =	rddreg [dreg:$0x1d]  }
0x1d5: {  	[tilespmem:s5], [sflag:$0x2] =	stream.indirect.gather [hbm4b:s3+s11], $0x20, s20, s11, $0xb8;
	v63 =	vld [tilespmem:$0x0]  }
0x1d6: {  	s20 =	sadd.s32 $0x620, s2;
	s5 =	rddreg [dreg:$0x1e]  }
0x1d7: {  	[tilespmem:s10], [sflag:$0x2] =	stream.indirect.gather [hbm4b:s3+s11], $0x20, s20, s11, $0xb8;
	v63 =	vld [tilespmem:$0x0]  }
0x1d8: {  	s20 =	sadd.s32 $0x658, s2;
	s10 =	rddreg [dreg:$0x1f]  }
0x1d9: {  	[tilespmem:s5], [sflag:$0x2] =	stream.indirect.gather [hbm4b:s3+s11], $0x20, s20, s11, $0xb8;
	v63 =	vld [tilespmem:$0x0]  }
0x1da: {  	s20 =	sadd.s32 $0x690, s2;
	s5 =	sld [smem:$0x7DD]  }
0x1db: {  	[tilespmem:s10], [sflag:$0x2] =	stream.indirect.gather [hbm4b:s3+s11], $0x20, s20, s11, $0xb8;
	v63 =	vld [tilespmem:$0x0]  }
0x1dc: {  	s20 =	sadd.s32 $0x6C8, s2;
	s10 =	simm.s32 @!p1 $0x7  }
0x1dd: {  	[tilespmem:s5], [sflag:$0x2] =	stream.indirect.gather [hbm4b:s3+s11], $0x20, s20, s11, $0xb8;
	v63 =	vld [tilespmem:$0x0]  }
0x1de: {  	_ =	swait.ge @!p1 [sflag:s10], $0x6400  }
0x1df: {  	[sflag:s10] =	ssyncset.done @!p1 $0x0  }
0x1e0: {  	s5 =	sld [smem:$0x7DE];
	[sflag:s10] =	ssyncadd.s32 @!p1 $0xFFFF9C00;
	s10 =	sadd.s32 $0x700, s2  }
0x1e1: {  	[tilespmem:s14], [sflag:$0x3] =	stream.indirect.gather [hbm4b:s3+s11], $0x20, s10, s11, $0xb8;
	v63 =	vld [tilespmem:$0x0]  }
0x1e2: {  	s20 =	sadd.s32 $0x738, s2;
	s10 =	sld [smem:$0x7DF]  }
0x1e3: {  	[tilespmem:s5], [sflag:$0x3] =	stream.indirect.gather [hbm4b:s3+s11], $0x20, s20, s11, $0xb8;
	v63 =	vld [tilespmem:$0x0]  }
0x1e4: {  	s20 =	sadd.s32 $0x770, s2;
	s5 =	sld [smem:$0x7E0]  }
0x1e5: {  	[tilespmem:s10], [sflag:$0x3] =	stream.indirect.gather [hbm4b:s3+s11], $0x20, s20, s11, $0xb8;
	v63 =	vld [tilespmem:$0x0]  }
0x1e6: {  	s20 =	sadd.s32 $0x7A8, s2;
	s10 =	sld [smem:$0x7E1]  }
0x1e7: {  	[tilespmem:s5], [sflag:$0x3] =	stream.indirect.gather [hbm4b:s3+s11], $0x20, s20, s11, $0xb8;
	v63 =	vld [tilespmem:$0x0]  }
0x1e8: {  	s20 =	sadd.s32 $0x7E0, s2;
	s5 =	sld [smem:$0x7E2]  }
0x1e9: {  	[tilespmem:s10], [sflag:$0x3] =	stream.indirect.gather [hbm4b:s3+s11], $0x20, s20, s11, $0xb8;
	v63 =	vld [tilespmem:$0x0]  }
0x1ea: {  	s20 =	sadd.s32 $0x818, s2;
	s10 =	sld [smem:$0x7E3]  }
0x1eb: {  	[tilespmem:s5], [sflag:$0x3] =	stream.indirect.gather [hbm4b:s3+s11], $0x20, s20, s11, $0xb8;
	v63 =	vld [tilespmem:$0x0]  }
0x1ec: {  	s20 =	sadd.s32 $0x850, s2;
	s5 =	sld [smem:$0x7E4]  }
0x1ed: {  	[tilespmem:s10], [sflag:$0x3] =	stream.indirect.gather [hbm4b:s3+s11], $0x20, s20, s11, $0xb8;
	v63 =	vld [tilespmem:$0x0]  }
0x1ee: {  	s20 =	sadd.s32 $0x888, s2;
	s10 =	sld [smem:$0x7E6]  }
0x1ef: {  	[tilespmem:s5], [sflag:$0x3] =	stream.indirect.gather [hbm4b:s3+s11], $0x20, s20, s11, $0xb8;
	v63 =	vld [tilespmem:$0x0]  }
0x1f0: {  	s20 =	sadd.s32 $0x8C0, s2;
	s5 =	sld [smem:$0x7E7]  }
0x1f1: {  	[tilespmem:s10], [sflag:$0x3] =	stream.indirect.gather [hbm4b:s3+s11], $0x20, s20, s11, $0xb8;
	v63 =	vld [tilespmem:$0x0]  }
0x1f2: {  	s20 =	sadd.s32 $0x8F8, s2;
	s10 =	sld [smem:$0x7E9]  }
0x1f3: {  	[tilespmem:s5], [sflag:$0x3] =	stream.indirect.gather [hbm4b:s3+s11], $0x20, s20, s11, $0xb8;
	v63 =	vld [tilespmem:$0x0]  }
0x1f4: {  	s20 =	sadd.s32 $0x930, s2;
	s5 =	sld [smem:$0x7EA]  }
0x1f5: {  	[tilespmem:s10], [sflag:$0x3] =	stream.indirect.gather [hbm4b:s3+s11], $0x20, s20, s11, $0xb8;
	v63 =	vld [tilespmem:$0x0]  }
0x1f6: {  	s20 =	sadd.s32 $0x968, s2;
	s10 =	sld [smem:$0x7EB]  }
0x1f7: {  	[tilespmem:s5], [sflag:$0x3] =	stream.indirect.gather [hbm4b:s3+s11], $0x20, s20, s11, $0xb8;
	v63 =	vld [tilespmem:$0x0]  }
0x1f8: {  	s20 =	sadd.s32 $0x9A0, s2;
	s5 =	sld [smem:$0x7EC]  }
0x1f9: {  	[tilespmem:s10], [sflag:$0x3] =	stream.indirect.gather [hbm4b:s3+s11], $0x20, s20, s11, $0xb8;
	v63 =	vld [tilespmem:$0x0]  }
0x1fa: {  	s20 =	sadd.s32 $0x9D8, s2;
	s10 =	sld [smem:$0x7ED]  }
0x1fb: {  	[tilespmem:s5], [sflag:$0x3] =	stream.indirect.gather [hbm4b:s3+s11], $0x20, s20, s11, $0xb8;
	v63 =	vld [tilespmem:$0x0]  }
0x1fc: {  	s20 =	sadd.s32 $0xA10, s2;
	s5 =	sld [smem:$0x7EE]  }
0x1fd: {  	[tilespmem:s10], [sflag:$0x3] =	stream.indirect.gather [hbm4b:s3+s11], $0x20, s20, s11, $0xb8;
	v63 =	vld [tilespmem:$0x0]  }
0x1fe: {  	s20 =	sadd.s32 $0xA48, s2;
	s10 =	simm.s32 @!p1 $0x8  }
0x1ff: {  	[tilespmem:s5], [sflag:$0x3] =	stream.indirect.gather [hbm4b:s3+s11], $0x20, s20, s11, $0xb8;
	v63 =	vld [tilespmem:$0x0]  }
0x200: {  	_ =	swait.ge @!p1 [sflag:s10], $0x6400  }
0x201: {  	[sflag:s10] =	ssyncset.done @!p1 $0x0  }
0x202: {  	s5 =	sld [smem:$0x7EF];
	[sflag:s10] =	ssyncadd.s32 @!p1 $0xFFFF9C00;
	s10 =	sadd.s32 $0xA80, s2  }
0x203: {  	[tilespmem:s15], [sflag:$0x4] =	stream.indirect.gather [hbm4b:s3+s11], $0x20, s10, s11, $0xb8;
	v63 =	vld [tilespmem:$0x0]  }
0x204: {  	s20 =	sadd.s32 $0xAB8, s2;
	s10 =	sld [smem:$0x7F0]  }
0x205: {  	[tilespmem:s5], [sflag:$0x4] =	stream.indirect.gather [hbm4b:s3+s11], $0x20, s20, s11, $0xb8;
	v63 =	vld [tilespmem:$0x0]  }
0x206: {  	s20 =	sadd.s32 $0xAF0, s2;
	s5 =	sld [smem:$0x7F1]  }
0x207: {  	[tilespmem:s10], [sflag:$0x4] =	stream.indirect.gather [hbm4b:s3+s11], $0x20, s20, s11, $0xb8;
	v63 =	vld [tilespmem:$0x0]  }
0x208: {  	s20 =	sadd.s32 $0xB28, s2;
	s10 =	sld [smem:$0x7F2]  }
0x209: {  	[tilespmem:s5], [sflag:$0x4] =	stream.indirect.gather [hbm4b:s3+s11], $0x20, s20, s11, $0xb8;
	v63 =	vld [tilespmem:$0x0]  }
0x20a: {  	s20 =	sadd.s32 $0xB60, s2;
	s5 =	sld [smem:$0x7F3]  }
0x20b: {  	[tilespmem:s10], [sflag:$0x4] =	stream.indirect.gather [hbm4b:s3+s11], $0x20, s20, s11, $0xb8;
	v63 =	vld [tilespmem:$0x0]  }
0x20c: {  	s20 =	sadd.s32 $0xB98, s2;
	s10 =	sld [smem:$0x7F4]  }
0x20d: {  	[tilespmem:s5], [sflag:$0x4] =	stream.indirect.gather [hbm4b:s3+s11], $0x20, s20, s11, $0xb8;
	v63 =	vld [tilespmem:$0x0]  }
0x20e: {  	s20 =	sadd.s32 $0xBD0, s2;
	s5 =	sld [smem:$0x7F5]  }
0x20f: {  	[tilespmem:s10], [sflag:$0x4] =	stream.indirect.gather [hbm4b:s3+s11], $0x20, s20, s11, $0xb8;
	v63 =	vld [tilespmem:$0x0]  }
0x210: {  	s20 =	sadd.s32 $0xC08, s2;
	s10 =	sld [smem:$0x7F6]  }
0x211: {  	[tilespmem:s5], [sflag:$0x4] =	stream.indirect.gather [hbm4b:s3+s11], $0x20, s20, s11, $0xb8;
	v63 =	vld [tilespmem:$0x0]  }
0x212: {  	s20 =	sadd.s32 $0xC40, s2;
	s5 =	sld [smem:$0x7F7]  }
0x213: {  	[tilespmem:s10], [sflag:$0x4] =	stream.indirect.gather [hbm4b:s3+s11], $0x20, s20, s11, $0xb8;
	v63 =	vld [tilespmem:$0x0]  }
0x214: {  	s20 =	sadd.s32 $0xC78, s2;
	s10 =	sld [smem:$0x7F8]  }
0x215: {  	[tilespmem:s5], [sflag:$0x4] =	stream.indirect.gather [hbm4b:s3+s11], $0x20, s20, s11, $0xb8;
	v63 =	vld [tilespmem:$0x0]  }
0x216: {  	s20 =	sadd.s32 $0xCB0, s2;
	s5 =	sld [smem:$0x7F9]  }
0x217: {  	[tilespmem:s10], [sflag:$0x4] =	stream.indirect.gather [hbm4b:s3+s11], $0x20, s20, s11, $0xb8;
	v63 =	vld [tilespmem:$0x0]  }
0x218: {  	s20 =	sadd.s32 $0xCE8, s2;
	s10 =	sld [smem:$0x7FA]  }
0x219: {  	[tilespmem:s5], [sflag:$0x4] =	stream.indirect.gather [hbm4b:s3+s11], $0x20, s20, s11, $0xb8;
	v63 =	vld [tilespmem:$0x0]  }
0x21a: {  	s20 =	sadd.s32 $0xD20, s2;
	s5 =	sld [smem:$0x7FB]  }
0x21b: {  	[tilespmem:s10], [sflag:$0x4] =	stream.indirect.gather [hbm4b:s3+s11], $0x20, s20, s11, $0xb8;
	v63 =	vld [tilespmem:$0x0]  }
0x21c: {  	s20 =	sadd.s32 $0xD58, s2;
	s10 =	sld [smem:$0x7FC]  }
0x21d: {  	[tilespmem:s5], [sflag:$0x4] =	stream.indirect.gather [hbm4b:s3+s11], $0x20, s20, s11, $0xb8;
	v63 =	vld [tilespmem:$0x0]  }
0x21e: {  	s5 =	sadd.s32 $0xD90, s2;
	s20 =	sld [smem:$0x7FD]  }
0x21f: {  	[tilespmem:s10], [sflag:$0x4] =	stream.indirect.gather [hbm4b:s3+s11], $0x20, s5, s11, $0xb8;
	v63 =	vld [tilespmem:$0x0]  }
0x220: {  	s2 =	sadd.s32 $0xDC8, s2  }
0x221: {  	[tilespmem:s20], [sflag:$0x4] =	stream.indirect.gather [hbm4b:s3+s11], $0x20, s2, s11, $0xb8;
	v63 =	vld [tilespmem:$0x0]  }
0x222: {  	_ =	swait.ge [sflag:s16], $0x640  }
0x223: {  	[sflag:s16] =	ssyncset.done $0x0  }
0x224: {  	[sflag:s16] =	ssyncadd.s32 $0xFFFFF9C0  }
0x225: {  	_ =	swait.ge [sflag:s16], $0x640  }
0x226: {  	[sflag:s16] =	ssyncset.done $0x0  }
0x227: {  	[sflag:s16] =	ssyncadd.s32 $0xFFFFF9C0  }
0x228: {  	_ =	swait.ge [sflag:s16], $0x640  }
0x229: {  	[sflag:s16] =	ssyncset.done $0x0  }
0x22a: {  	[sflag:s16] =	ssyncadd.s32 $0xFFFFF9C0  }
0x22b: {  	_ =	swait.ge [sflag:s16], $0x640  }
0x22c: {  	[sflag:s16] =	ssyncset.done $0x0  }
0x22d: {  	[sflag:s16] =	ssyncadd.s32 $0xFFFFF9C0  }
0x22e: {  	_ =	swait.ge [sflag:s16], $0x640  }
0x22f: {  	[sflag:s16] =	ssyncset.done $0x0  }
0x230: {  	[sflag:s16] =	ssyncadd.s32 $0xFFFFF9C0  }
0x231: {  	_ =	swait.ge [sflag:s16], $0x640  }
0x232: {  	[sflag:s16] =	ssyncset.done $0x0  }
0x233: {  	[sflag:s16] =	ssyncadd.s32 $0xFFFFF9C0  }
0x234: {  	_ =	swait.ge [sflag:s16], $0x640  }
0x235: {  	[sflag:s16] =	ssyncset.done $0x0  }
0x236: {  	[sflag:s16] =	ssyncadd.s32 $0xFFFFF9C0  }
0x237: {  	_ =	swait.ge [sflag:s16], $0x640  }
0x238: {  	[sflag:s16] =	ssyncset.done $0x0  }
0x239: {  	[sflag:s16] =	ssyncadd.s32 $0xFFFFF9C0  }
0x23a: {  	_ =	swait.ge [sflag:s16], $0x640  }
0x23b: {  	[sflag:s16] =	ssyncset.done $0x0  }
0x23c: {  	[sflag:s16] =	ssyncadd.s32 $0xFFFFF9C0  }
0x23d: {  	_ =	swait.ge [sflag:s16], $0x640  }
0x23e: {  	[sflag:s16] =	ssyncset.done $0x0  }
0x23f: {  	[sflag:s16] =	ssyncadd.s32 $0xFFFFF9C0  }
0x240: {  	_ =	swait.ge [sflag:s16], $0x640  }
0x241: {  	[sflag:s16] =	ssyncset.done $0x0  }
0x242: {  	[sflag:s16] =	ssyncadd.s32 $0xFFFFF9C0  }
0x243: {  	_ =	swait.ge [sflag:s16], $0x640  }
0x244: {  	[sflag:s16] =	ssyncset.done $0x0  }
0x245: {  	[sflag:s16] =	ssyncadd.s32 $0xFFFFF9C0  }
0x246: {  	_ =	swait.ge [sflag:s16], $0x640  }
0x247: {  	[sflag:s16] =	ssyncset.done $0x0  }
0x248: {  	[sflag:s16] =	ssyncadd.s32 $0xFFFFF9C0  }
0x249: {  	_ =	swait.ge [sflag:s16], $0x640  }
0x24a: {  	[sflag:s16] =	ssyncset.done $0x0  }
0x24b: {  	[sflag:s16] =	ssyncadd.s32 $0xFFFFF9C0  }
0x24c: {  	_ =	swait.ge [sflag:s16], $0x640  }
0x24d: {  	[sflag:s16] =	ssyncset.done $0x0  }
0x24e: {  	[sflag:s16] =	ssyncadd.s32 $0xFFFFF9C0  }
0x24f: {  	_ =	swait.ge [sflag:s16], $0x640  }
0x250: {  	[sflag:s16] =	ssyncset.done $0x0  }
0x251: {  	[sflag:s16] =	ssyncadd.s32 $0xFFFFF9C0  }
0x252: {  	[hbm4b:s29+s1] =	stream.linear.scatter [tilespmem:s12], [sflag:$0x5], $0x6400, $0x38;
	v63 =	vld [tilespmem:$0x0]  }
0x253: {  	_ =	swait.ge [sflag:s17], $0x640  }
0x254: {  	[sflag:s17] =	ssyncset.done $0x0  }
0x255: {  	[sflag:s17] =	ssyncadd.s32 $0xFFFFF9C0  }
0x256: {  	_ =	swait.ge [sflag:s17], $0x640  }
0x257: {  	[sflag:s17] =	ssyncset.done $0x0  }
0x258: {  	[sflag:s17] =	ssyncadd.s32 $0xFFFFF9C0  }
0x259: {  	_ =	swait.ge [sflag:s17], $0x640  }
0x25a: {  	[sflag:s17] =	ssyncset.done $0x0  }
0x25b: {  	[sflag:s17] =	ssyncadd.s32 $0xFFFFF9C0  }
0x25c: {  	_ =	swait.ge [sflag:s17], $0x640  }
0x25d: {  	[sflag:s17] =	ssyncset.done $0x0  }
0x25e: {  	[sflag:s17] =	ssyncadd.s32 $0xFFFFF9C0  }
0x25f: {  	_ =	swait.ge [sflag:s17], $0x640  }
0x260: {  	[sflag:s17] =	ssyncset.done $0x0  }
0x261: {  	[sflag:s17] =	ssyncadd.s32 $0xFFFFF9C0  }
0x262: {  	_ =	swait.ge [sflag:s17], $0x640  }
0x263: {  	[sflag:s17] =	ssyncset.done $0x0  }
0x264: {  	[sflag:s17] =	ssyncadd.s32 $0xFFFFF9C0  }
0x265: {  	_ =	swait.ge [sflag:s17], $0x640  }
0x266: {  	[sflag:s17] =	ssyncset.done $0x0  }
0x267: {  	[sflag:s17] =	ssyncadd.s32 $0xFFFFF9C0  }
0x268: {  	_ =	swait.ge [sflag:s17], $0x640  }
0x269: {  	[sflag:s17] =	ssyncset.done $0x0  }
0x26a: {  	[sflag:s17] =	ssyncadd.s32 $0xFFFFF9C0  }
0x26b: {  	_ =	swait.ge [sflag:s17], $0x640  }
0x26c: {  	[sflag:s17] =	ssyncset.done $0x0  }
0x26d: {  	[sflag:s17] =	ssyncadd.s32 $0xFFFFF9C0  }
0x26e: {  	_ =	swait.ge [sflag:s17], $0x640  }
0x26f: {  	[sflag:s17] =	ssyncset.done $0x0  }
0x270: {  	[sflag:s17] =	ssyncadd.s32 $0xFFFFF9C0  }
0x271: {  	_ =	swait.ge [sflag:s17], $0x640  }
0x272: {  	[sflag:s17] =	ssyncset.done $0x0  }
0x273: {  	[sflag:s17] =	ssyncadd.s32 $0xFFFFF9C0  }
0x274: {  	_ =	swait.ge [sflag:s17], $0x640  }
0x275: {  	[sflag:s17] =	ssyncset.done $0x0  }
0x276: {  	[sflag:s17] =	ssyncadd.s32 $0xFFFFF9C0  }
0x277: {  	_ =	swait.ge [sflag:s17], $0x640  }
0x278: {  	[sflag:s17] =	ssyncset.done $0x0  }
0x279: {  	[sflag:s17] =	ssyncadd.s32 $0xFFFFF9C0  }
0x27a: {  	_ =	swait.ge [sflag:s17], $0x640  }
0x27b: {  	[sflag:s17] =	ssyncset.done $0x0  }
0x27c: {  	[sflag:s17] =	ssyncadd.s32 $0xFFFFF9C0  }
0x27d: {  	_ =	swait.ge [sflag:s17], $0x640  }
0x27e: {  	[sflag:s17] =	ssyncset.done $0x0  }
0x27f: {  	[sflag:s17] =	ssyncadd.s32 $0xFFFFF9C0  }
0x280: {  	_ =	swait.ge [sflag:s17], $0x640  }
0x281: {  	[sflag:s17] =	ssyncset.done $0x0  }
0x282: {  	[sflag:s17] =	ssyncadd.s32 $0xFFFFF9C0  }
0x283: {  	[hbm4b:s28+s1] =	stream.linear.scatter [tilespmem:s13], [sflag:$0x6], $0x6400, $0x38;
	v63 =	vld [tilespmem:$0x0]  }
0x284: {  	_ =	swait.ge [sflag:s18], $0x640  }
0x285: {  	[sflag:s18] =	ssyncset.done $0x0  }
0x286: {  	[sflag:s18] =	ssyncadd.s32 $0xFFFFF9C0  }
0x287: {  	_ =	swait.ge [sflag:s18], $0x640  }
0x288: {  	[sflag:s18] =	ssyncset.done $0x0  }
0x289: {  	[sflag:s18] =	ssyncadd.s32 $0xFFFFF9C0  }
0x28a: {  	_ =	swait.ge [sflag:s18], $0x640  }
0x28b: {  	[sflag:s18] =	ssyncset.done $0x0  }
0x28c: {  	[sflag:s18] =	ssyncadd.s32 $0xFFFFF9C0  }
0x28d: {  	_ =	swait.ge [sflag:s18], $0x640  }
0x28e: {  	[sflag:s18] =	ssyncset.done $0x0  }
0x28f: {  	[sflag:s18] =	ssyncadd.s32 $0xFFFFF9C0  }
0x290: {  	_ =	swait.ge [sflag:s18], $0x640  }
0x291: {  	[sflag:s18] =	ssyncset.done $0x0  }
0x292: {  	[sflag:s18] =	ssyncadd.s32 $0xFFFFF9C0  }
0x293: {  	_ =	swait.ge [sflag:s18], $0x640  }
0x294: {  	[sflag:s18] =	ssyncset.done $0x0  }
0x295: {  	[sflag:s18] =	ssyncadd.s32 $0xFFFFF9C0  }
0x296: {  	_ =	swait.ge [sflag:s18], $0x640  }
0x297: {  	[sflag:s18] =	ssyncset.done $0x0  }
0x298: {  	[sflag:s18] =	ssyncadd.s32 $0xFFFFF9C0  }
0x299: {  	_ =	swait.ge [sflag:s18], $0x640  }
0x29a: {  	[sflag:s18] =	ssyncset.done $0x0  }
0x29b: {  	[sflag:s18] =	ssyncadd.s32 $0xFFFFF9C0  }
0x29c: {  	_ =	swait.ge [sflag:s18], $0x640  }
0x29d: {  	[sflag:s18] =	ssyncset.done $0x0  }
0x29e: {  	[sflag:s18] =	ssyncadd.s32 $0xFFFFF9C0  }
0x29f: {  	_ =	swait.ge [sflag:s18], $0x640  }
0x2a0: {  	[sflag:s18] =	ssyncset.done $0x0  }
0x2a1: {  	[sflag:s18] =	ssyncadd.s32 $0xFFFFF9C0  }
0x2a2: {  	_ =	swait.ge [sflag:s18], $0x640  }
0x2a3: {  	[sflag:s18] =	ssyncset.done $0x0  }
0x2a4: {  	[sflag:s18] =	ssyncadd.s32 $0xFFFFF9C0  }
0x2a5: {  	_ =	swait.ge [sflag:s18], $0x640  }
0x2a6: {  	[sflag:s18] =	ssyncset.done $0x0  }
0x2a7: {  	[sflag:s18] =	ssyncadd.s32 $0xFFFFF9C0  }
0x2a8: {  	_ =	swait.ge [sflag:s18], $0x640  }
0x2a9: {  	[sflag:s18] =	ssyncset.done $0x0  }
0x2aa: {  	[sflag:s18] =	ssyncadd.s32 $0xFFFFF9C0  }
0x2ab: {  	_ =	swait.ge [sflag:s18], $0x640  }
0x2ac: {  	[sflag:s18] =	ssyncset.done $0x0  }
0x2ad: {  	[sflag:s18] =	ssyncadd.s32 $0xFFFFF9C0  }
0x2ae: {  	_ =	swait.ge [sflag:s18], $0x640  }
0x2af: {  	[sflag:s18] =	ssyncset.done $0x0  }
0x2b0: {  	[sflag:s18] =	ssyncadd.s32 $0xFFFFF9C0  }
0x2b1: {  	_ =	swait.ge [sflag:s18], $0x640  }
0x2b2: {  	[sflag:s18] =	ssyncset.done $0x0  }
0x2b3: {  	[sflag:s18] =	ssyncadd.s32 $0xFFFFF9C0  }
0x2b4: {  	[hbm4b:s26+s1] =	stream.linear.scatter [tilespmem:s14], [sflag:$0x7], $0x6400, $0x38;
	v63 =	vld [tilespmem:$0x0]  }
0x2b5: {  	_ =	swait.ge [sflag:s19], $0x640  }
0x2b6: {  	[sflag:s19] =	ssyncset.done $0x0  }
0x2b7: {  	[sflag:s19] =	ssyncadd.s32 $0xFFFFF9C0  }
0x2b8: {  	_ =	swait.ge [sflag:s19], $0x640  }
0x2b9: {  	[sflag:s19] =	ssyncset.done $0x0  }
0x2ba: {  	[sflag:s19] =	ssyncadd.s32 $0xFFFFF9C0  }
0x2bb: {  	_ =	swait.ge [sflag:s19], $0x640  }
0x2bc: {  	[sflag:s19] =	ssyncset.done $0x0  }
0x2bd: {  	[sflag:s19] =	ssyncadd.s32 $0xFFFFF9C0  }
0x2be: {  	_ =	swait.ge [sflag:s19], $0x640  }
0x2bf: {  	[sflag:s19] =	ssyncset.done $0x0  }
0x2c0: {  	[sflag:s19] =	ssyncadd.s32 $0xFFFFF9C0  }
0x2c1: {  	_ =	swait.ge [sflag:s19], $0x640  }
0x2c2: {  	[sflag:s19] =	ssyncset.done $0x0  }
0x2c3: {  	[sflag:s19] =	ssyncadd.s32 $0xFFFFF9C0  }
0x2c4: {  	_ =	swait.ge [sflag:s19], $0x640  }
0x2c5: {  	[sflag:s19] =	ssyncset.done $0x0  }
0x2c6: {  	[sflag:s19] =	ssyncadd.s32 $0xFFFFF9C0  }
0x2c7: {  	_ =	swait.ge [sflag:s19], $0x640  }
0x2c8: {  	[sflag:s19] =	ssyncset.done $0x0  }
0x2c9: {  	[sflag:s19] =	ssyncadd.s32 $0xFFFFF9C0  }
0x2ca: {  	_ =	swait.ge [sflag:s19], $0x640  }
0x2cb: {  	[sflag:s19] =	ssyncset.done $0x0  }
0x2cc: {  	[sflag:s19] =	ssyncadd.s32 $0xFFFFF9C0  }
0x2cd: {  	_ =	swait.ge [sflag:s19], $0x640  }
0x2ce: {  	[sflag:s19] =	ssyncset.done $0x0  }
0x2cf: {  	[sflag:s19] =	ssyncadd.s32 $0xFFFFF9C0  }
0x2d0: {  	_ =	swait.ge [sflag:s19], $0x640  }
0x2d1: {  	[sflag:s19] =	ssyncset.done $0x0  }
0x2d2: {  	[sflag:s19] =	ssyncadd.s32 $0xFFFFF9C0  }
0x2d3: {  	_ =	swait.ge [sflag:s19], $0x640  }
0x2d4: {  	[sflag:s19] =	ssyncset.done $0x0  }
0x2d5: {  	[sflag:s19] =	ssyncadd.s32 $0xFFFFF9C0  }
0x2d6: {  	_ =	swait.ge [sflag:s19], $0x640  }
0x2d7: {  	[sflag:s19] =	ssyncset.done $0x0  }
0x2d8: {  	[sflag:s19] =	ssyncadd.s32 $0xFFFFF9C0  }
0x2d9: {  	_ =	swait.ge [sflag:s19], $0x640  }
0x2da: {  	[sflag:s19] =	ssyncset.done $0x0  }
0x2db: {  	[sflag:s19] =	ssyncadd.s32 $0xFFFFF9C0  }
0x2dc: {  	_ =	swait.ge [sflag:s19], $0x640  }
0x2dd: {  	s4 =	smov.u32 s31;
	s31 =	sadd.s32 $0x3800, s31;
	[sflag:s19] =	ssyncset.done $0x0  }
0x2de: {  	p0 =	sne.s32 s31, $0x1C000;
	[sflag:s19] =	ssyncadd.s32 $0xFFFFF9C0  }
.Ltmp0:
0x2df: {  	_ =	swait.ge [sflag:s19], $0x640;
	(pc) =	sbr.rel @p0 .LBB2_2-.Ltmp0, $4  }
0x2e0: {  	s7 =	smov.u32 s25;
	[sflag:s19] =	ssyncset.done $0x0  }
0x2e1: {  	s25 =	sadd.s32 $0x3200, s25;
	s30 =	smov.u32 s4;
	[sflag:s19] =	ssyncadd.s32 $0xFFFFF9C0  }
0x2e2: {  	p1 =	seq.s32 s30, $0x0;
	s29 =	sadd.s32 $0x3200, s29;
	_ =	swait.ge [sflag:s19], $0x640  }
0x2e3: {  	s28 =	sadd.s32 $0x3200, s28;
	s26 =	sadd.s32 $0x3200, s26;
	[sflag:s19] =	ssyncset.done $0x0  }
0x2e4: {  	s2 =	simm.s32 @!p1 $0x5;
	[sflag:s19] =	ssyncadd.s32 $0xFFFFF9C0  }
0x2e5: {  	[hbm4b:s7+s1] =	stream.linear.scatter [tilespmem:s15], [sflag:$0x8], $0x6400, $0x38;
	v63 =	vld [tilespmem:$0x0]  }
0x2e6: {  	_ =	swait.ge @!p1 [sflag:s2], $0x6400  }
0x2e7: {  	[sflag:s2] =	ssyncset.done @!p1 $0x0  }
0x2e8: {  	[sflag:s2] =	ssyncadd.s32 @!p1 $0xFFFF9C00;
	s2 =	sshra.s32 s30, $0x2  }
0x2e9: {  	[tilespmem:s12], [sflag:$0x1] =	stream.indirect.gather [hbm4b:s3+s11], $0x20, s2, s11, $0xb8;
	v63 =	vld [tilespmem:$0x0]  }
0x2ea: {  	s4 =	rddreg [dreg:$0x3];
	s5 =	sadd.s32 $0x38, s2  }
0x2eb: {  	[tilespmem:s4], [sflag:$0x1] =	stream.indirect.gather [hbm4b:s3+s11], $0x20, s5, s11, $0xb8;
	v63 =	vld [tilespmem:$0x0]  }
0x2ec: {  	s20 =	rddreg [dreg:$0x4];
	s30 =	sadd.s32 $0x70, s2  }
0x2ed: {  	[tilespmem:s20], [sflag:$0x1] =	stream.indirect.gather [hbm4b:s3+s11], $0x20, s30, s11, $0xb8;
	v63 =	vld [tilespmem:$0x0]  }
0x2ee: {  	s31 =	rddreg [dreg:$0x5];
	s10 =	sadd.s32 $0xA8, s2  }
0x2ef: {  	[tilespmem:s31], [sflag:$0x1] =	stream.indirect.gather [hbm4b:s3+s11], $0x20, s10, s11, $0xb8;
	v63 =	vld [tilespmem:$0x0]  }
0x2f0: {  	s20 =	rddreg [dreg:$0x6];
	s30 =	sadd.s32 $0xE0, s2  }
0x2f1: {  	[tilespmem:s20], [sflag:$0x1] =	stream.indirect.gather [hbm4b:s3+s11], $0x20, s30, s11, $0xb8;
	v63 =	vld [tilespmem:$0x0]  }
0x2f2: {  	s31 =	rddreg [dreg:$0x7];
	s10 =	sadd.s32 $0x118, s2  }
0x2f3: {  	[tilespmem:s31], [sflag:$0x1] =	stream.indirect.gather [hbm4b:s3+s11], $0x20, s10, s11, $0xb8;
	v63 =	vld [tilespmem:$0x0]  }
0x2f4: {  	s20 =	rddreg [dreg:$0x8];
	s30 =	sadd.s32 $0x150, s2  }
0x2f5: {  	[tilespmem:s20], [sflag:$0x1] =	stream.indirect.gather [hbm4b:s3+s11], $0x20, s30, s11, $0xb8;
	v63 =	vld [tilespmem:$0x0]  }
0x2f6: {  	s31 =	rddreg [dreg:$0x9];
	s10 =	sadd.s32 $0x188, s2  }
0x2f7: {  	[tilespmem:s31], [sflag:$0x1] =	stream.indirect.gather [hbm4b:s3+s11], $0x20, s10, s11, $0xb8;
	v63 =	vld [tilespmem:$0x0]  }
0x2f8: {  	s20 =	rddreg [dreg:$0xa];
	s30 =	sadd.s32 $0x1C0, s2  }
0x2f9: {  	[tilespmem:s20], [sflag:$0x1] =	stream.indirect.gather [hbm4b:s3+s11], $0x20, s30, s11, $0xb8;
	v63 =	vld [tilespmem:$0x0]  }
0x2fa: {  	s31 =	rddreg [dreg:$0xb];
	s10 =	sadd.s32 $0x1F8, s2  }
0x2fb: {  	[tilespmem:s31], [sflag:$0x1] =	stream.indirect.gather [hbm4b:s3+s11], $0x20, s10, s11, $0xb8;
	v63 =	vld [tilespmem:$0x0]  }
0x2fc: {  	s20 =	rddreg [dreg:$0xc];
	s30 =	sadd.s32 $0x230, s2  }
0x2fd: {  	[tilespmem:s20], [sflag:$0x1] =	stream.indirect.gather [hbm4b:s3+s11], $0x20, s30, s11, $0xb8;
	v63 =	vld [tilespmem:$0x0]  }
0x2fe: {  	s31 =	rddreg [dreg:$0xd];
	s10 =	sadd.s32 $0x268, s2  }
0x2ff: {  	[tilespmem:s31], [sflag:$0x1] =	stream.indirect.gather [hbm4b:s3+s11], $0x20, s10, s11, $0xb8;
	v63 =	vld [tilespmem:$0x0]  }
0x300: {  	s20 =	rddreg [dreg:$0xe];
	s30 =	sadd.s32 $0x2A0, s2  }
0x301: {  	[tilespmem:s20], [sflag:$0x1] =	stream.indirect.gather [hbm4b:s3+s11], $0x20, s30, s11, $0xb8;
	v63 =	vld [tilespmem:$0x0]  }
0x302: {  	s7 =	sadd.s32 $0x2D8, s2;
	s31 =	rddreg [dreg:$0xf]  }
0x303: {  	[tilespmem:s31], [sflag:$0x1] =	stream.indirect.gather [hbm4b:s3+s11], $0x20, s7, s11, $0xb8;
	v63 =	vld [tilespmem:$0x0]  }
0x304: {  	s10 =	rddreg [dreg:$0x10];
	s20 =	sadd.s32 $0x310, s2  }
0x305: {  	[tilespmem:s10], [sflag:$0x1] =	stream.indirect.gather [hbm4b:s3+s11], $0x20, s20, s11, $0xb8;
	v63 =	vld [tilespmem:$0x0]  }
0x306: {  	s30 =	rddreg [dreg:$0x11];
	s31 =	sadd.s32 $0x348, s2;
	s7 =	simm.s32 @!p1 $0x6  }
0x307: {  	[tilespmem:s30], [sflag:$0x1] =	stream.indirect.gather [hbm4b:s3+s11], $0x20, s31, s11, $0xb8;
	v63 =	vld [tilespmem:$0x0]  }
0x308: {  	_ =	swait.ge @!p1 [sflag:s7], $0x6400  }
0x309: {  	[sflag:s7] =	ssyncset.done @!p1 $0x0  }
0x30a: {  	s5 =	sadd.s32 $0x380, s2;
	s20 =	rddreg [dreg:$0x13];
	[sflag:s7] =	ssyncadd.s32 @!p1 $0xFFFF9C00  }
0x30b: {  	[tilespmem:s13], [sflag:$0x2] =	stream.indirect.gather [hbm4b:s3+s11], $0x20, s5, s11, $0xb8;
	v63 =	vld [tilespmem:$0x0]  }
0x30c: {  	s10 =	sadd.s32 $0x3B8, s2;
	s7 =	rddreg [dreg:$0x12]  }
0x30d: {  	[tilespmem:s7], [sflag:$0x2] =	stream.indirect.gather [hbm4b:s3+s11], $0x20, s10, s11, $0xb8;
	v63 =	vld [tilespmem:$0x0]  }
0x30e: {  	s30 =	sadd.s32 $0x3F0, s2;
	s31 =	rddreg [dreg:$0x14]  }
0x30f: {  	[tilespmem:s20], [sflag:$0x2] =	stream.indirect.gather [hbm4b:s3+s11], $0x20, s30, s11, $0xb8;
	v63 =	vld [tilespmem:$0x0]  }
0x310: {  	s10 =	sadd.s32 $0x428, s2;
	s20 =	rddreg [dreg:$0x15]  }
0x311: {  	[tilespmem:s31], [sflag:$0x2] =	stream.indirect.gather [hbm4b:s3+s11], $0x20, s10, s11, $0xb8;
	v63 =	vld [tilespmem:$0x0]  }
0x312: {  	s30 =	sadd.s32 $0x460, s2;
	s31 =	rddreg [dreg:$0x16]  }
0x313: {  	[tilespmem:s20], [sflag:$0x2] =	stream.indirect.gather [hbm4b:s3+s11], $0x20, s30, s11, $0xb8;
	v63 =	vld [tilespmem:$0x0]  }
0x314: {  	s10 =	sadd.s32 $0x498, s2;
	s20 =	rddreg [dreg:$0x17]  }
0x315: {  	[tilespmem:s31], [sflag:$0x2] =	stream.indirect.gather [hbm4b:s3+s11], $0x20, s10, s11, $0xb8;
	v63 =	vld [tilespmem:$0x0]  }
0x316: {  	s30 =	sadd.s32 $0x4D0, s2;
	s31 =	rddreg [dreg:$0x18]  }
0x317: {  	[tilespmem:s20], [sflag:$0x2] =	stream.indirect.gather [hbm4b:s3+s11], $0x20, s30, s11, $0xb8;
	v63 =	vld [tilespmem:$0x0]  }
0x318: {  	s10 =	sadd.s32 $0x508, s2;
	s20 =	rddreg [dreg:$0x19]  }
0x319: {  	[tilespmem:s31], [sflag:$0x2] =	stream.indirect.gather [hbm4b:s3+s11], $0x20, s10, s11, $0xb8;
	v63 =	vld [tilespmem:$0x0]  }
0x31a: {  	s30 =	sadd.s32 $0x540, s2;
	s31 =	rddreg [dreg:$0x1a]  }
0x31b: {  	[tilespmem:s20], [sflag:$0x2] =	stream.indirect.gather [hbm4b:s3+s11], $0x20, s30, s11, $0xb8;
	v63 =	vld [tilespmem:$0x0]  }
0x31c: {  	s10 =	sadd.s32 $0x578, s2;
	s20 =	rddreg [dreg:$0x1b]  }
0x31d: {  	[tilespmem:s31], [sflag:$0x2] =	stream.indirect.gather [hbm4b:s3+s11], $0x20, s10, s11, $0xb8;
	v63 =	vld [tilespmem:$0x0]  }
0x31e: {  	s30 =	sadd.s32 $0x5B0, s2;
	s31 =	rddreg [dreg:$0x1c]  }
0x31f: {  	[tilespmem:s20], [sflag:$0x2] =	stream.indirect.gather [hbm4b:s3+s11], $0x20, s30, s11, $0xb8;
	v63 =	vld [tilespmem:$0x0]  }
0x320: {  	s10 =	sadd.s32 $0x5E8, s2;
	s20 =	rddreg [dreg:$0x1d]  }
0x321: {  	[tilespmem:s31], [sflag:$0x2] =	stream.indirect.gather [hbm4b:s3+s11], $0x20, s10, s11, $0xb8;
	v63 =	vld [tilespmem:$0x0]  }
0x322: {  	s30 =	sadd.s32 $0x620, s2;
	s31 =	rddreg [dreg:$0x1e]  }
0x323: {  	[tilespmem:s20], [sflag:$0x2] =	stream.indirect.gather [hbm4b:s3+s11], $0x20, s30, s11, $0xb8;
	v63 =	vld [tilespmem:$0x0]  }
0x324: {  	s7 =	sadd.s32 $0x658, s2;
	s10 =	rddreg [dreg:$0x1f]  }
0x325: {  	[tilespmem:s31], [sflag:$0x2] =	stream.indirect.gather [hbm4b:s3+s11], $0x20, s7, s11, $0xb8;
	v63 =	vld [tilespmem:$0x0]  }
0x326: {  	s20 =	sadd.s32 $0x690, s2;
	s30 =	sld [smem:$0x7DD]  }
0x327: {  	[tilespmem:s10], [sflag:$0x2] =	stream.indirect.gather [hbm4b:s3+s11], $0x20, s20, s11, $0xb8;
	v63 =	vld [tilespmem:$0x0]  }
0x328: {  	s31 =	sadd.s32 $0x6C8, s2;
	s7 =	simm.s32 @!p1 $0x7  }
0x329: {  	[tilespmem:s30], [sflag:$0x2] =	stream.indirect.gather [hbm4b:s3+s11], $0x20, s31, s11, $0xb8;
	v63 =	vld [tilespmem:$0x0]  }
0x32a: {  	_ =	swait.ge @!p1 [sflag:s7], $0x6400  }
0x32b: {  	[sflag:s7] =	ssyncset.done @!p1 $0x0  }
0x32c: {  	s5 =	sadd.s32 $0x700, s2;
	[sflag:s7] =	ssyncadd.s32 @!p1 $0xFFFF9C00;
	s7 =	sld [smem:$0x7DE]  }
0x32d: {  	[tilespmem:s14], [sflag:$0x3] =	stream.indirect.gather [hbm4b:s3+s11], $0x20, s5, s11, $0xb8;
	v63 =	vld [tilespmem:$0x0]  }
0x32e: {  	s10 =	sadd.s32 $0x738, s2;
	s20 =	sld [smem:$0x7DF]  }
0x32f: {  	[tilespmem:s7], [sflag:$0x3] =	stream.indirect.gather [hbm4b:s3+s11], $0x20, s10, s11, $0xb8;
	v63 =	vld [tilespmem:$0x0]  }
0x330: {  	s30 =	sadd.s32 $0x770, s2;
	s31 =	sld [smem:$0x7E0]  }
0x331: {  	[tilespmem:s20], [sflag:$0x3] =	stream.indirect.gather [hbm4b:s3+s11], $0x20, s30, s11, $0xb8;
	v63 =	vld [tilespmem:$0x0]  }
0x332: {  	s10 =	sadd.s32 $0x7A8, s2;
	s20 =	sld [smem:$0x7E1]  }
0x333: {  	[tilespmem:s31], [sflag:$0x3] =	stream.indirect.gather [hbm4b:s3+s11], $0x20, s10, s11, $0xb8;
	v63 =	vld [tilespmem:$0x0]  }
0x334: {  	s30 =	sadd.s32 $0x7E0, s2;
	s31 =	sld [smem:$0x7E2]  }
0x335: {  	[tilespmem:s20], [sflag:$0x3] =	stream.indirect.gather [hbm4b:s3+s11], $0x20, s30, s11, $0xb8;
	v63 =	vld [tilespmem:$0x0]  }
0x336: {  	s10 =	sadd.s32 $0x818, s2;
	s20 =	sld [smem:$0x7E3]  }
0x337: {  	[tilespmem:s31], [sflag:$0x3] =	stream.indirect.gather [hbm4b:s3+s11], $0x20, s10, s11, $0xb8;
	v63 =	vld [tilespmem:$0x0]  }
0x338: {  	s30 =	sadd.s32 $0x850, s2;
	s31 =	sld [smem:$0x7E4]  }
0x339: {  	[tilespmem:s20], [sflag:$0x3] =	stream.indirect.gather [hbm4b:s3+s11], $0x20, s30, s11, $0xb8;
	v63 =	vld [tilespmem:$0x0]  }
0x33a: {  	s10 =	sadd.s32 $0x888, s2;
	s20 =	sld [smem:$0x7E6]  }
0x33b: {  	[tilespmem:s31], [sflag:$0x3] =	stream.indirect.gather [hbm4b:s3+s11], $0x20, s10, s11, $0xb8;
	v63 =	vld [tilespmem:$0x0]  }
0x33c: {  	s30 =	sadd.s32 $0x8C0, s2;
	s31 =	sld [smem:$0x7E7]  }
0x33d: {  	[tilespmem:s20], [sflag:$0x3] =	stream.indirect.gather [hbm4b:s3+s11], $0x20, s30, s11, $0xb8;
	v63 =	vld [tilespmem:$0x0]  }
0x33e: {  	s10 =	sadd.s32 $0x8F8, s2;
	s20 =	sld [smem:$0x7E9]  }
0x33f: {  	[tilespmem:s31], [sflag:$0x3] =	stream.indirect.gather [hbm4b:s3+s11], $0x20, s10, s11, $0xb8;
	v63 =	vld [tilespmem:$0x0]  }
0x340: {  	s30 =	sadd.s32 $0x930, s2;
	s31 =	sld [smem:$0x7EA]  }
0x341: {  	[tilespmem:s20], [sflag:$0x3] =	stream.indirect.gather [hbm4b:s3+s11], $0x20, s30, s11, $0xb8;
	v63 =	vld [tilespmem:$0x0]  }
0x342: {  	s10 =	sadd.s32 $0x968, s2;
	s20 =	sld [smem:$0x7EB]  }
0x343: {  	[tilespmem:s31], [sflag:$0x3] =	stream.indirect.gather [hbm4b:s3+s11], $0x20, s10, s11, $0xb8;
	v63 =	vld [tilespmem:$0x0]  }
0x344: {  	s30 =	sadd.s32 $0x9A0, s2;
	s31 =	sld [smem:$0x7EC]  }
0x345: {  	[tilespmem:s20], [sflag:$0x3] =	stream.indirect.gather [hbm4b:s3+s11], $0x20, s30, s11, $0xb8;
	v63 =	vld [tilespmem:$0x0]  }
0x346: {  	s7 =	sadd.s32 $0x9D8, s2;
	s10 =	sld [smem:$0x7ED]  }
0x347: {  	[tilespmem:s31], [sflag:$0x3] =	stream.indirect.gather [hbm4b:s3+s11], $0x20, s7, s11, $0xb8;
	v63 =	vld [tilespmem:$0x0]  }
0x348: {  	s20 =	sadd.s32 $0xA10, s2;
	s30 =	sld [smem:$0x7EE]  }
0x349: {  	[tilespmem:s10], [sflag:$0x3] =	stream.indirect.gather [hbm4b:s3+s11], $0x20, s20, s11, $0xb8;
	v63 =	vld [tilespmem:$0x0]  }
0x34a: {  	s31 =	sadd.s32 $0xA48, s2;
	s7 =	simm.s32 @!p1 $0x8  }
0x34b: {  	[tilespmem:s30], [sflag:$0x3] =	stream.indirect.gather [hbm4b:s3+s11], $0x20, s31, s11, $0xb8;
	v63 =	vld [tilespmem:$0x0]  }
0x34c: {  	_ =	swait.ge @!p1 [sflag:s7], $0x6400  }
0x34d: {  	[sflag:s7] =	ssyncset.done @!p1 $0x0  }
0x34e: {  	s10 =	sadd.s32 $0xA80, s2;
	s20 =	sld [smem:$0x7EF];
	[sflag:s7] =	ssyncadd.s32 @!p1 $0xFFFF9C00  }
0x34f: {  	[tilespmem:s15], [sflag:$0x4] =	stream.indirect.gather [hbm4b:s3+s11], $0x20, s10, s11, $0xb8;
	v63 =	vld [tilespmem:$0x0]  }
0x350: {  	s30 =	sadd.s32 $0xAB8, s2;
	s31 =	sld [smem:$0x7F0]  }
0x351: {  	[tilespmem:s20], [sflag:$0x4] =	stream.indirect.gather [hbm4b:s3+s11], $0x20, s30, s11, $0xb8;
	v63 =	vld [tilespmem:$0x0]  }
0x352: {  	s10 =	sadd.s32 $0xAF0, s2;
	s20 =	sld [smem:$0x7F1]  }
0x353: {  	[tilespmem:s31], [sflag:$0x4] =	stream.indirect.gather [hbm4b:s3+s11], $0x20, s10, s11, $0xb8;
	v63 =	vld [tilespmem:$0x0]  }
0x354: {  	s30 =	sadd.s32 $0xB28, s2;
	s31 =	sld [smem:$0x7F2]  }
0x355: {  	[tilespmem:s20], [sflag:$0x4] =	stream.indirect.gather [hbm4b:s3+s11], $0x20, s30, s11, $0xb8;
	v63 =	vld [tilespmem:$0x0]  }
0x356: {  	s10 =	sadd.s32 $0xB60, s2;
	s20 =	sld [smem:$0x7F3]  }
0x357: {  	[tilespmem:s31], [sflag:$0x4] =	stream.indirect.gather [hbm4b:s3+s11], $0x20, s10, s11, $0xb8;
	v63 =	vld [tilespmem:$0x0]  }
0x358: {  	s30 =	sadd.s32 $0xB98, s2;
	s31 =	sld [smem:$0x7F4]  }
0x359: {  	[tilespmem:s20], [sflag:$0x4] =	stream.indirect.gather [hbm4b:s3+s11], $0x20, s30, s11, $0xb8;
	v63 =	vld [tilespmem:$0x0]  }
0x35a: {  	s10 =	sadd.s32 $0xBD0, s2;
	s20 =	sld [smem:$0x7F5]  }
0x35b: {  	[tilespmem:s31], [sflag:$0x4] =	stream.indirect.gather [hbm4b:s3+s11], $0x20, s10, s11, $0xb8;
	v63 =	vld [tilespmem:$0x0]  }
0x35c: {  	s30 =	sadd.s32 $0xC08, s2;
	s31 =	sld [smem:$0x7F6]  }
0x35d: {  	[tilespmem:s20], [sflag:$0x4] =	stream.indirect.gather [hbm4b:s3+s11], $0x20, s30, s11, $0xb8;
	v63 =	vld [tilespmem:$0x0]  }
0x35e: {  	s10 =	sadd.s32 $0xC40, s2;
	s20 =	sld [smem:$0x7F7]  }
0x35f: {  	[tilespmem:s31], [sflag:$0x4] =	stream.indirect.gather [hbm4b:s3+s11], $0x20, s10, s11, $0xb8;
	v63 =	vld [tilespmem:$0x0]  }
0x360: {  	s30 =	sadd.s32 $0xC78, s2;
	s31 =	sld [smem:$0x7F8]  }
0x361: {  	[tilespmem:s20], [sflag:$0x4] =	stream.indirect.gather [hbm4b:s3+s11], $0x20, s30, s11, $0xb8;
	v63 =	vld [tilespmem:$0x0]  }
0x362: {  	s10 =	sadd.s32 $0xCB0, s2;
	s20 =	sld [smem:$0x7F9]  }
0x363: {  	[tilespmem:s31], [sflag:$0x4] =	stream.indirect.gather [hbm4b:s3+s11], $0x20, s10, s11, $0xb8;
	v63 =	vld [tilespmem:$0x0]  }
0x364: {  	s30 =	sadd.s32 $0xCE8, s2;
	s31 =	sld [smem:$0x7FA]  }
0x365: {  	[tilespmem:s20], [sflag:$0x4] =	stream.indirect.gather [hbm4b:s3+s11], $0x20, s30, s11, $0xb8;
	v63 =	vld [tilespmem:$0x0]  }
0x366: {  	s10 =	sadd.s32 $0xD20, s2;
	s20 =	sld [smem:$0x7FB]  }
0x367: {  	[tilespmem:s31], [sflag:$0x4] =	stream.indirect.gather [hbm4b:s3+s11], $0x20, s10, s11, $0xb8;
	v63 =	vld [tilespmem:$0x0]  }
0x368: {  	s30 =	sadd.s32 $0xD58, s2;
	s31 =	sld [smem:$0x7FC]  }
0x369: {  	[tilespmem:s20], [sflag:$0x4] =	stream.indirect.gather [hbm4b:s3+s11], $0x20, s30, s11, $0xb8;
	v63 =	vld [tilespmem:$0x0]  }
0x36a: {  	s10 =	sadd.s32 $0xD90, s2;
	s20 =	sld [smem:$0x7FD]  }
0x36b: {  	[tilespmem:s31], [sflag:$0x4] =	stream.indirect.gather [hbm4b:s3+s11], $0x20, s10, s11, $0xb8;
	v63 =	vld [tilespmem:$0x0]  }
0x36c: {  	s2 =	sadd.s32 $0xDC8, s2  }
0x36d: {  	[tilespmem:s20], [sflag:$0x4] =	stream.indirect.gather [hbm4b:s3+s11], $0x20, s2, s11, $0xb8;
	v63 =	vld [tilespmem:$0x0]  }
0x36e: {  	_ =	swait.ge [sflag:s16], $0x640  }
0x36f: {  	[sflag:s16] =	ssyncset.done $0x0  }
0x370: {  	[sflag:s16] =	ssyncadd.s32 $0xFFFFF9C0  }
0x371: {  	_ =	swait.ge [sflag:s16], $0x640  }
0x372: {  	[sflag:s16] =	ssyncset.done $0x0  }
0x373: {  	[sflag:s16] =	ssyncadd.s32 $0xFFFFF9C0  }
0x374: {  	_ =	swait.ge [sflag:s16], $0x640  }
0x375: {  	[sflag:s16] =	ssyncset.done $0x0  }
0x376: {  	[sflag:s16] =	ssyncadd.s32 $0xFFFFF9C0  }
0x377: {  	_ =	swait.ge [sflag:s16], $0x640  }
0x378: {  	[sflag:s16] =	ssyncset.done $0x0  }
0x379: {  	[sflag:s16] =	ssyncadd.s32 $0xFFFFF9C0  }
0x37a: {  	_ =	swait.ge [sflag:s16], $0x640  }
0x37b: {  	[sflag:s16] =	ssyncset.done $0x0  }
0x37c: {  	[sflag:s16] =	ssyncadd.s32 $0xFFFFF9C0  }
0x37d: {  	_ =	swait.ge [sflag:s16], $0x640  }
0x37e: {  	[sflag:s16] =	ssyncset.done $0x0  }
0x37f: {  	[sflag:s16] =	ssyncadd.s32 $0xFFFFF9C0  }
0x380: {  	_ =	swait.ge [sflag:s16], $0x640  }
0x381: {  	[sflag:s16] =	ssyncset.done $0x0  }
0x382: {  	[sflag:s16] =	ssyncadd.s32 $0xFFFFF9C0  }
0x383: {  	_ =	swait.ge [sflag:s16], $0x640  }
0x384: {  	[sflag:s16] =	ssyncset.done $0x0  }
0x385: {  	[sflag:s16] =	ssyncadd.s32 $0xFFFFF9C0  }
0x386: {  	_ =	swait.ge [sflag:s16], $0x640  }
0x387: {  	[sflag:s16] =	ssyncset.done $0x0  }
0x388: {  	[sflag:s16] =	ssyncadd.s32 $0xFFFFF9C0  }
0x389: {  	_ =	swait.ge [sflag:s16], $0x640  }
0x38a: {  	[sflag:s16] =	ssyncset.done $0x0  }
0x38b: {  	[sflag:s16] =	ssyncadd.s32 $0xFFFFF9C0  }
0x38c: {  	_ =	swait.ge [sflag:s16], $0x640  }
0x38d: {  	[sflag:s16] =	ssyncset.done $0x0  }
0x38e: {  	[sflag:s16] =	ssyncadd.s32 $0xFFFFF9C0  }
0x38f: {  	_ =	swait.ge [sflag:s16], $0x640  }
0x390: {  	[sflag:s16] =	ssyncset.done $0x0  }
0x391: {  	[sflag:s16] =	ssyncadd.s32 $0xFFFFF9C0  }
0x392: {  	_ =	swait.ge [sflag:s16], $0x640  }
0x393: {  	[sflag:s16] =	ssyncset.done $0x0  }
0x394: {  	[sflag:s16] =	ssyncadd.s32 $0xFFFFF9C0  }
0x395: {  	_ =	swait.ge [sflag:s16], $0x640  }
0x396: {  	[sflag:s16] =	ssyncset.done $0x0  }
0x397: {  	[sflag:s16] =	ssyncadd.s32 $0xFFFFF9C0  }
0x398: {  	_ =	swait.ge [sflag:s16], $0x640  }
0x399: {  	[sflag:s16] =	ssyncset.done $0x0  }
0x39a: {  	[sflag:s16] =	ssyncadd.s32 $0xFFFFF9C0  }
0x39b: {  	_ =	swait.ge [sflag:s16], $0x640  }
0x39c: {  	[sflag:s16] =	ssyncset.done $0x0  }
0x39d: {  	[sflag:s16] =	ssyncadd.s32 $0xFFFFF9C0  }
0x39e: {  	[hbm4b:s29+s1] =	stream.linear.scatter [tilespmem:s12], [sflag:$0x5], $0x6400, $0x38;
	v63 =	vld [tilespmem:$0x0]  }
0x39f: {  	_ =	swait.ge [sflag:s17], $0x640  }
0x3a0: {  	[sflag:s17] =	ssyncset.done $0x0  }
0x3a1: {  	[sflag:s17] =	ssyncadd.s32 $0xFFFFF9C0  }
0x3a2: {  	_ =	swait.ge [sflag:s17], $0x640  }
0x3a3: {  	[sflag:s17] =	ssyncset.done $0x0  }
0x3a4: {  	[sflag:s17] =	ssyncadd.s32 $0xFFFFF9C0  }
0x3a5: {  	_ =	swait.ge [sflag:s17], $0x640  }
0x3a6: {  	[sflag:s17] =	ssyncset.done $0x0  }
0x3a7: {  	[sflag:s17] =	ssyncadd.s32 $0xFFFFF9C0  }
0x3a8: {  	_ =	swait.ge [sflag:s17], $0x640  }
0x3a9: {  	[sflag:s17] =	ssyncset.done $0x0  }
0x3aa: {  	[sflag:s17] =	ssyncadd.s32 $0xFFFFF9C0  }
0x3ab: {  	_ =	swait.ge [sflag:s17], $0x640  }
0x3ac: {  	[sflag:s17] =	ssyncset.done $0x0  }
0x3ad: {  	[sflag:s17] =	ssyncadd.s32 $0xFFFFF9C0  }
0x3ae: {  	_ =	swait.ge [sflag:s17], $0x640  }
0x3af: {  	[sflag:s17] =	ssyncset.done $0x0  }
0x3b0: {  	[sflag:s17] =	ssyncadd.s32 $0xFFFFF9C0  }
0x3b1: {  	_ =	swait.ge [sflag:s17], $0x640  }
0x3b2: {  	[sflag:s17] =	ssyncset.done $0x0  }
0x3b3: {  	[sflag:s17] =	ssyncadd.s32 $0xFFFFF9C0  }
0x3b4: {  	_ =	swait.ge [sflag:s17], $0x640  }
0x3b5: {  	[sflag:s17] =	ssyncset.done $0x0  }
0x3b6: {  	[sflag:s17] =	ssyncadd.s32 $0xFFFFF9C0  }
0x3b7: {  	_ =	swait.ge [sflag:s17], $0x640  }
0x3b8: {  	[sflag:s17] =	ssyncset.done $0x0  }
0x3b9: {  	[sflag:s17] =	ssyncadd.s32 $0xFFFFF9C0  }
0x3ba: {  	_ =	swait.ge [sflag:s17], $0x640  }
0x3bb: {  	[sflag:s17] =	ssyncset.done $0x0  }
0x3bc: {  	[sflag:s17] =	ssyncadd.s32 $0xFFFFF9C0  }
0x3bd: {  	_ =	swait.ge [sflag:s17], $0x640  }
0x3be: {  	[sflag:s17] =	ssyncset.done $0x0  }
0x3bf: {  	[sflag:s17] =	ssyncadd.s32 $0xFFFFF9C0  }
0x3c0: {  	_ =	swait.ge [sflag:s17], $0x640  }
0x3c1: {  	[sflag:s17] =	ssyncset.done $0x0  }
0x3c2: {  	[sflag:s17] =	ssyncadd.s32 $0xFFFFF9C0  }
0x3c3: {  	_ =	swait.ge [sflag:s17], $0x640  }
0x3c4: {  	[sflag:s17] =	ssyncset.done $0x0  }
0x3c5: {  	[sflag:s17] =	ssyncadd.s32 $0xFFFFF9C0  }
0x3c6: {  	_ =	swait.ge [sflag:s17], $0x640  }
0x3c7: {  	[sflag:s17] =	ssyncset.done $0x0  }
0x3c8: {  	[sflag:s17] =	ssyncadd.s32 $0xFFFFF9C0  }
0x3c9: {  	_ =	swait.ge [sflag:s17], $0x640  }
0x3ca: {  	[sflag:s17] =	ssyncset.done $0x0  }
0x3cb: {  	[sflag:s17] =	ssyncadd.s32 $0xFFFFF9C0  }
0x3cc: {  	_ =	swait.ge [sflag:s17], $0x640  }
0x3cd: {  	[sflag:s17] =	ssyncset.done $0x0  }
0x3ce: {  	[sflag:s17] =	ssyncadd.s32 $0xFFFFF9C0  }
0x3cf: {  	[hbm4b:s28+s1] =	stream.linear.scatter [tilespmem:s13], [sflag:$0x6], $0x6400, $0x38;
	v63 =	vld [tilespmem:$0x0]  }
0x3d0: {  	_ =	swait.ge [sflag:s18], $0x640  }
0x3d1: {  	[sflag:s18] =	ssyncset.done $0x0  }
0x3d2: {  	[sflag:s18] =	ssyncadd.s32 $0xFFFFF9C0  }
0x3d3: {  	_ =	swait.ge [sflag:s18], $0x640  }
0x3d4: {  	[sflag:s18] =	ssyncset.done $0x0  }
0x3d5: {  	[sflag:s18] =	ssyncadd.s32 $0xFFFFF9C0  }
0x3d6: {  	_ =	swait.ge [sflag:s18], $0x640  }
0x3d7: {  	[sflag:s18] =	ssyncset.done $0x0  }
0x3d8: {  	[sflag:s18] =	ssyncadd.s32 $0xFFFFF9C0  }
0x3d9: {  	_ =	swait.ge [sflag:s18], $0x640  }
0x3da: {  	[sflag:s18] =	ssyncset.done $0x0  }
0x3db: {  	[sflag:s18] =	ssyncadd.s32 $0xFFFFF9C0  }
0x3dc: {  	_ =	swait.ge [sflag:s18], $0x640  }
0x3dd: {  	[sflag:s18] =	ssyncset.done $0x0  }
0x3de: {  	[sflag:s18] =	ssyncadd.s32 $0xFFFFF9C0  }
0x3df: {  	_ =	swait.ge [sflag:s18], $0x640  }
0x3e0: {  	[sflag:s18] =	ssyncset.done $0x0  }
0x3e1: {  	[sflag:s18] =	ssyncadd.s32 $0xFFFFF9C0  }
0x3e2: {  	_ =	swait.ge [sflag:s18], $0x640  }
0x3e3: {  	[sflag:s18] =	ssyncset.done $0x0  }
0x3e4: {  	[sflag:s18] =	ssyncadd.s32 $0xFFFFF9C0  }
0x3e5: {  	_ =	swait.ge [sflag:s18], $0x640  }
0x3e6: {  	[sflag:s18] =	ssyncset.done $0x0  }
0x3e7: {  	[sflag:s18] =	ssyncadd.s32 $0xFFFFF9C0  }
0x3e8: {  	_ =	swait.ge [sflag:s18], $0x640  }
0x3e9: {  	[sflag:s18] =	ssyncset.done $0x0  }
0x3ea: {  	[sflag:s18] =	ssyncadd.s32 $0xFFFFF9C0  }
0x3eb: {  	_ =	swait.ge [sflag:s18], $0x640  }
0x3ec: {  	[sflag:s18] =	ssyncset.done $0x0  }
0x3ed: {  	[sflag:s18] =	ssyncadd.s32 $0xFFFFF9C0  }
0x3ee: {  	_ =	swait.ge [sflag:s18], $0x640  }
0x3ef: {  	[sflag:s18] =	ssyncset.done $0x0  }
0x3f0: {  	[sflag:s18] =	ssyncadd.s32 $0xFFFFF9C0  }
0x3f1: {  	_ =	swait.ge [sflag:s18], $0x640  }
0x3f2: {  	[sflag:s18] =	ssyncset.done $0x0  }
0x3f3: {  	[sflag:s18] =	ssyncadd.s32 $0xFFFFF9C0  }
0x3f4: {  	_ =	swait.ge [sflag:s18], $0x640  }
0x3f5: {  	[sflag:s18] =	ssyncset.done $0x0  }
0x3f6: {  	[sflag:s18] =	ssyncadd.s32 $0xFFFFF9C0  }
0x3f7: {  	_ =	swait.ge [sflag:s18], $0x640  }
0x3f8: {  	[sflag:s18] =	ssyncset.done $0x0  }
0x3f9: {  	[sflag:s18] =	ssyncadd.s32 $0xFFFFF9C0  }
0x3fa: {  	_ =	swait.ge [sflag:s18], $0x640  }
0x3fb: {  	[sflag:s18] =	ssyncset.done $0x0  }
0x3fc: {  	[sflag:s18] =	ssyncadd.s32 $0xFFFFF9C0  }
0x3fd: {  	_ =	swait.ge [sflag:s18], $0x640  }
0x3fe: {  	[sflag:s18] =	ssyncset.done $0x0  }
0x3ff: {  	[sflag:s18] =	ssyncadd.s32 $0xFFFFF9C0  }
0x400: {  	[hbm4b:s26+s1] =	stream.linear.scatter [tilespmem:s14], [sflag:$0x7], $0x6400, $0x38;
	v63 =	vld [tilespmem:$0x0]  }
0x401: {  	_ =	swait.ge [sflag:s19], $0x640  }
0x402: {  	[sflag:s19] =	ssyncset.done $0x0  }
0x403: {  	[sflag:s19] =	ssyncadd.s32 $0xFFFFF9C0  }
0x404: {  	_ =	swait.ge [sflag:s19], $0x640  }
0x405: {  	[sflag:s19] =	ssyncset.done $0x0  }
0x406: {  	[sflag:s19] =	ssyncadd.s32 $0xFFFFF9C0  }
0x407: {  	_ =	swait.ge [sflag:s19], $0x640  }
0x408: {  	[sflag:s19] =	ssyncset.done $0x0  }
0x409: {  	[sflag:s19] =	ssyncadd.s32 $0xFFFFF9C0  }
0x40a: {  	_ =	swait.ge [sflag:s19], $0x640  }
0x40b: {  	[sflag:s19] =	ssyncset.done $0x0  }
0x40c: {  	[sflag:s19] =	ssyncadd.s32 $0xFFFFF9C0  }
0x40d: {  	_ =	swait.ge [sflag:s19], $0x640  }
0x40e: {  	[sflag:s19] =	ssyncset.done $0x0  }
0x40f: {  	[sflag:s19] =	ssyncadd.s32 $0xFFFFF9C0  }
0x410: {  	_ =	swait.ge [sflag:s19], $0x640  }
0x411: {  	[sflag:s19] =	ssyncset.done $0x0  }
0x412: {  	[sflag:s19] =	ssyncadd.s32 $0xFFFFF9C0  }
0x413: {  	_ =	swait.ge [sflag:s19], $0x640  }
0x414: {  	[sflag:s19] =	ssyncset.done $0x0  }
0x415: {  	[sflag:s19] =	ssyncadd.s32 $0xFFFFF9C0  }
0x416: {  	_ =	swait.ge [sflag:s19], $0x640  }
0x417: {  	[sflag:s19] =	ssyncset.done $0x0  }
0x418: {  	[sflag:s19] =	ssyncadd.s32 $0xFFFFF9C0  }
0x419: {  	_ =	swait.ge [sflag:s19], $0x640  }
0x41a: {  	[sflag:s19] =	ssyncset.done $0x0  }
0x41b: {  	[sflag:s19] =	ssyncadd.s32 $0xFFFFF9C0  }
0x41c: {  	_ =	swait.ge [sflag:s19], $0x640  }
0x41d: {  	[sflag:s19] =	ssyncset.done $0x0  }
0x41e: {  	[sflag:s19] =	ssyncadd.s32 $0xFFFFF9C0  }
0x41f: {  	_ =	swait.ge [sflag:s19], $0x640  }
0x420: {  	[sflag:s19] =	ssyncset.done $0x0  }
0x421: {  	[sflag:s19] =	ssyncadd.s32 $0xFFFFF9C0  }
0x422: {  	_ =	swait.ge [sflag:s19], $0x640  }
0x423: {  	[sflag:s19] =	ssyncset.done $0x0  }
0x424: {  	[sflag:s19] =	ssyncadd.s32 $0xFFFFF9C0  }
0x425: {  	_ =	swait.ge [sflag:s19], $0x640  }
0x426: {  	[sflag:s19] =	ssyncset.done $0x0  }
0x427: {  	[sflag:s19] =	ssyncadd.s32 $0xFFFFF9C0  }
0x428: {  	_ =	swait.ge [sflag:s19], $0x640  }
0x429: {  	[sflag:s19] =	ssyncset.done $0x0  }
0x42a: {  	[sflag:s19] =	ssyncadd.s32 $0xFFFFF9C0  }
0x42b: {  	_ =	swait.ge [sflag:s19], $0x640  }
0x42c: {  	[sflag:s19] =	ssyncset.done $0x0  }
0x42d: {  	[sflag:s19] =	ssyncadd.s32 $0xFFFFF9C0  }
0x42e: {  	_ =	swait.ge [sflag:s19], $0x640  }
0x42f: {  	[sflag:s19] =	ssyncset.done $0x0  }
0x430: {  	s30 =	simm.s32 $0x5;
	[sflag:s19] =	ssyncadd.s32 $0xFFFFF9C0  }
0x431: {  	[hbm4b:s25+s1] =	stream.linear.scatter [tilespmem:s15], [sflag:$0x8], $0x6400, $0x38;
	v63 =	vld [tilespmem:$0x0]  }
0x432: {  	_ =	swait.ge [sflag:s30], $0x6400  }
0x433: {  	[sflag:s30] =	ssyncset.done $0x0  }
0x434: {  	[sflag:s30] =	ssyncadd.s32 $0xFFFF9C00  }
0x435: {  	_ =	swait.ge [sflag:s21], $0x6400  }
0x436: {  	[sflag:s21] =	ssyncset.done $0x0  }
0x437: {  	[sflag:s21] =	ssyncadd.s32 $0xFFFF9C00  }
0x438: {  	_ =	swait.ge [sflag:s22], $0x6400  }
0x439: {  	[sflag:s22] =	ssyncset.done $0x0  }
0x43a: {  	[sflag:s22] =	ssyncadd.s32 $0xFFFF9C00  }
0x43b: {  	_ =	swait.ge [sflag:s23], $0x6400  }
0x43c: {  	s31 =	sld [smem:$0x7E8];
	_ =	sdelay $0x1  }
0x43d: {  	s24 =	sadd.s32 $0x1, s24  }
0x43e: {  	p0 =	sne.s32 s24, s31  }
.Ltmp1:
0x43f: {  	_ = 	snop;
	(pc) =	sbr.rel @p0 .LBB2_1-.Ltmp1, $3  }
0x440: {  	_ =	sdelay $0x1  }
0x441: {  	[sflag:s23] =	ssyncset.done $0x0  }
0x442: {  	[sflag:s23] =	ssyncadd.s32 $0xFFFF9C00  }
0x443: {  	_ =	sfence.sel $0x180000  }
0x444: {  	[bflag:$0x0] =	sbarrier.arrive $0xFFFF  }
0x445: {  	_ =	strace $0x90000047  }
0x446: {  	s0 =	stileid.u32;
	[bflag:$0x2] =	sbarrier.arrive $0xFFFF  }
0x447: {  	p0 =	sne.s32 s0, $0x0;
	s0 =	rddreg [dreg:$0x2]  }
0x448: {  	s0 =	sadd.s32 @!p0 $0x100000, s0  }
0x449: {  	[sflag:s0] =	ssyncadd.tile.s32 @!p0 $0x1;
	_ =	shalt  }
.Lfunc_end2:
_tile_overlayer_lowered:
.L_overlay_start_2:
0x44a: {  	(tag) =	ssettag $0x2  }
0x44b: {  	s0 =	rddreg [dreg:$0x0];
	s2 =	stileid.u32  }
0x44c: {  	s1 =	rddreg [dreg:$0x1];
	p0 =	sne.s32 s2, $0x0  }
0x44d: {  	s3 =	rddreg [dreg:$0x2];
	[bflag:$0x3] =	sbarrier.arrive $0xFFFF;
	s2 =	simm.s32 @!p0 $0x1C09  }
0x44e: {  	[timem:s3], [sflag:s2] =	dma.local @!p0 [hbm:s0], s1  }
0x44f: {  	s0 =	simm.s32 @!p0 $0x9  }
0x450: {  	_ =	swait.ge @!p0 [sflag:s0], s1  }
0x451: {  	s1 =	ssub.s32 @!p0 $0x0, s1;
	[sflag:s0] =	ssyncset.done @!p0 $0x0  }
0x452: {  	[sflag:s0] =	ssyncadd.s32 @!p0 s1  }
0x453: {  	[bflag:$0x3] =	sbarrier.arrive $0xFFFF  }
0x454: {  	_ =	shalt  }

// kernel: sparse-core-data-format-call.cloned.1.call-start
scs
called_computation_lowered:
.L_overlay_start_0:
0x0: {  	s2 =	sld [smem:$0x3FD9]  }
0x1: {  	s3 =	sld [smem:$0x3FFE];
	_ =	sdelay $0x1  }
0x2: {  	s1 =	srdreg.scid  }
0x3: {  	s0 =	sand.u32 $0x1, s1  }
0x4: {  	s18 =	sshll.u32 s0, $0xA;
	s2 =	sadd.s32 s3, s2  }
0x5: {  	s2 =	sadd.s32 s2, s18  }
0x6: {  	[smem:$0x3FC6] =	sst s2  }
0x7: {  	_ = 	snop  }
0x8: {  	s2 =	sld [smem:$0x3FD0];
	(tm) =	ssettm $0x1  }
0x9: {  	s19 =	sld [smem:$0x3FFB];
	_ =	sdelay $0x3  }
0xa: {  	_ =	strace s19  }
0xb: {  	s3 =	sld [smem:$0x3FFC];
	_ =	sdelay $0x3  }
0xc: {  	_ =	strace s3  }
0xd: {  	s3 =	sld [smem:$0x3FFD];
	_ =	sdelay $0x3  }
0xe: {  	_ =	strace s3  }
0xf: {  	_ =	strace $0x8FFFFFFF  }
0x10: {  	s20 =	sld [smem:$0x3FDB];
	_ =	sdelay $0x1  }
0x11: {  	s4 =	simm.s32 $_scs_section_size  }
0x12: {  	s5 =	simm.s32 $_size__tile_overlayer_lowered;
	s6 =	simm.s32 $_tile_overlayer_lowered  }
0x13: {  	s23 =	simm.s32 $0x1BFF;
	s22 =	sshll.u32 s6, $0x1;
	s3 =	sadd.s32 s4, s20  }
0x14: {  	s7 =	simm.s32 $0x0;
	s21 =	sshll.u32 s5, $0x1;
	s5 =	sadd.s32 s22, s3  }
0x15: {  	[timem:s7], [sflag:s23] =	dma.local [hbm:s5], s21  }
0x16: {  	_ =	swait.ge [sflag:s23], s21  }
0x17: {  	s4 =	ssub.s32 $0x0, s21;
	[sflag:s23] =	ssyncset.done $0x0  }
0x18: {  	[sflag:s23] =	ssyncadd.s32 s4;
	_ =	sdelay $0x1  }
0x19: {  	s24 =	simm.s32 $0x1B8B  }
0x1a: {  	_ =	swait.ge [sflag:s24], $0x1  }
0x1b: {  	[sflag:s24] =	ssyncset.done $0x0  }
0x1c: {  	s26 =	simm.s32 $0x1B8E;
	s25 =	sld [smem:$0x3FFE];
	[sflag:s24] =	ssyncadd.s32 $0xFFFFFFFF  }
0x1d: {  	s27 =	simm.s32 $execute0_lowered;
	[smem:$0x3FD2] =	sst s26  }
0x1e: {  	s5 =	sshll.u32 s27, $0x1;
	_ =	strace $0x80000049;
	[dreg:$0x1] =	wrdreg $0xFFFFFFFF  }
0x1f: {  	s28 =	simm.s32 $_size_execute0_lowered;
	s3 =	sadd.s32 s3, s5;
	[dreg:$0x0] =	wrdreg $0x0  }
0x20: {  	s5 =	sshll.u32 s28, $0x1;
	[dreg:$0x2] =	wrdreg s3  }
0x21: {  	[dreg:$0x3] =	wrdreg s5  }
0x22: {  	[dreg:$0x4] =	wrdreg $0xC0  }
0x23: {  	_ =	task [dreg:s7], $0x5FFFF  }
0x24: {  	[dreg:$0x1] =	wrdreg $0xFFFFFFFF  }
0x25: {  	[dreg:$0x0] =	wrdreg $0x60  }
0x26: {  	[dreg:$0x2] =	wrdreg s25  }
0x27: {  	[dreg:$0x3] =	wrdreg s2  }
0x28: {  	[dreg:$0x4] =	wrdreg $0x9  }
0x29: {  	_ =	task.clear_ibuf [dreg:s7], $0x5FFFF;
	_ =	strace $0x90000049  }
0x2a: {  	s29 =	simm.s32 $0x9;
	_ =	strace $0x8000004B  }
0x2b: {  	_ =	swait.ge [sflag:s29], $0x1  }
0x2c: {  	[sflag:s29] =	ssyncadd.s32 $0xFFFFFFFF  }
0x2d: {  	_ =	strace $0x9000004B  }
0x2e: {  	_ =	sfence  }
0x2f: {  	s30 =	sld [smem:$0x0];
	_ =	sdelay $0x2  }
0x30: {  	s31 =	sshll.u32 s1, $0xD;
	s1 =	sshrl.u32 s1, $0x2  }
0x31: {  	s3 =	sand.u32 $0x4000, s31;
	s1 =	sadd.s32 s1, s30  }
0x32: {  	s0 =	sor.u32 s3, s0;
	s1 =	sshll.u32 s1, $0x11  }
0x33: {  	s0 =	sor.u32 s1, s0  }
0x34: {  	s0 =	sadd.s32 $0x8F2B, s0  }
0x35: {  	[sflag:s0] =	ssyncadd.remote.s32 $0x1  }
0x36: {  	_ =	sfence.sel $0xFFFF  }
0x37: {  	[dreg:$0x0] =	wrdreg $0xFFFFFFFF;
	(pc) =	sbr.abs _section_cstart, $3  }
0x38: {  	[dreg:$0x1] =	wrdreg $0xFFFFFFFF  }
0x39: {  	_ =	task.clear_ibuf [dreg:s7], $0x2FFFF;
	_ =	strace $0x9FFFFFFF  }
0x3a: {  	(tm) =	ssettm $0x7FFFFFFF  }
0x3b: {  	_ =	shalt  }
tec
execute0_lowered:
.L_overlay_start_1:
0x0: {  	(tag) =	ssettag $0x1  }
0x1: {  	s0 =	srdreg.scid  }
0x2: {  	s1 =	sshll.u32 s0, $0x4  }
0x3: {  	s0 =	stileid.u32;
	s1 =	sand.u32 $0x10, s1  }
0x4: {  	s1 =	sor.u32 s0, s1  }
0x5: {  	s6 =	rddreg [dreg:$0x0];
	s4 =	simm.s32 $0x1;
	s2 =	sshll.u32 s1, $0x7  }
0x6: {  	s7 =	simm.s32 $0x2;
	s12 =	simm.s32 $0x0;
	s1 =	ssub.s32 $0x4000, s2  }
0x7: {  	s8 =	simm.s32 $0x20000;
	s13 =	simm.s32 $0x0;
	s3 =	sand.u32 $0xF80, s1  }
0x8: {  	s9 =	simm.s32 $0x0;
	s5 =	sshrl.u32 s1, $0xC;
	p0 =	sne.s32 s3, $0x0  }
.Ltmp0:
0x9: {  	s1 =	rddreg [dreg:$0x2];
	s4 =	simm.s32 @!p0 $0x0;
	(pc) =	sbr.rel .LBB1_1-.Ltmp0, $4  }
0xa: {  	s11 =	simm.s32 $0x0;
	s3 =	rddreg [dreg:$0x1];
	s5 =	sadd.s32 s4, s5  }
0xb: {  	_ =	strace $0x8000004A;
	s4 =	simm.s32 $0x1;
	s5 =	smul.u32 $0x32, s5  }
0xc: {  	s6 =	sadd.s32 $0xA00, s6;
	s10 =	smov.u32 s2;
	[sflag:s4] =	ssyncpa.u1 $0x0  }
0xd: {  	p0 =	por $0x0, $0x0;
	[sflag:s7] =	ssyncpa.u1 $0x0;
	s7 =	sor.u32 $0x1, s5  }
.LBB1_4:
0xe: {  	s16 =	sshll.u32 s13, $0x3;
	s17 =	sand.u32 $0x78, s13  }
0xf: {  	s30 =	sand.u32 $0xF800, s13;
	s12 =	sshll.u32 s12, $0x10;
	s16 =	sand.u32 $0x3C00, s16  }
0x10: {  	s31 =	sand.u32 $0x7, s13;
	s16 =	sor.u32 s17, s16;
	s17 =	sadd.s32 s3, s30  }
0x11: {  	s13 =	sshll.u32 s31, $0x12;
	s16 =	sshrl.u32 s16, $0x3;
	s12 =	sadd.s32 s12, s17  }
0x12: {  	[tilespmem:s15+$0x0 ss:$0x81] =	vst.msk $0xffff, v0;
	s13 =	sor.u32 $0x400, s13;
	s12 =	sadd.s32 s16, s12  }
0x13: {  	[hbm4b:s12+s13] =	stream.strided.scatter [tilespmem:s14], [sflag:$0x2], $0x1000, s8, s13, $0x20;
	[tilespmem:$0x4040] =	vst v63  }
.LBB1_5:
0x14: {  	s14 =	sadd.s32 $0x1, s9  }
0x15: {  	s12 =	sadd.s32 $0x1000, s10;
	s16 =	smov.u32 s10;
	p2 =	sgt.s32 s14, $0x31  }
0x16: {  	s16 =	smov.u32 @p2 s12  }
0x17: {  	s14 =	simm.s32 @p2 $0x0;
	p2 =	sgt.s32 s16, $0x3FFF  }
0x18: {  	s16 =	smov.u32 @p2 s2;
	p2 =	sne.s32 s11, s7  }
.Ltmp1:
0x19: {  	p1 =	slt.u32 s11, $0x2;
	(pc) =	sbr.rel @!p2 .LBB1_6-.Ltmp1, $4  }
0x1a: {  	s15 =	simm.s32 @!p1 $0x2  }
0x1b: {  	s13 =	smov.u32 s10;
	p0 =	por !p0, !p0;
	_ =	swait.ge @!p1 [sflag:s15], $0x1000  }
0x1c: {  	s12 =	smov.u32 s9;
	[sflag:s15] =	ssyncset.done @!p1 $0x0;
	s9 =	smov.u32 s14  }
0x1d: {  	s11 =	sadd.s32 $0x1, s11;
	[sflag:s15] =	ssyncadd.s32 @!p1 $0xFFFFF000;
	s10 =	smov.u32 s16  }
.LBB1_1:
0x1e: {  	p1 =	sge.u32 s11, s5  }
0x1f: {  	s14 =	sand.u32 @!p1 $0x1FFFFFF, s9  }
0x20: {  	s15 =	smulhi.u32 @!p1 $0x4924925, s14;
	_ =	sdelay $0x1  }
0x21: {  	s15 =	smul.u32 @!p1 $0x38, s15  }
0x22: {  	s16 =	sxor.u32 @!p1 $0xFFFFFFFF, s11;
	s17 =	smul.u32 @!p1 $0x380, s10  }
0x23: {  	s31 =	sadd.s32 $0xFFFFFFFF, s11;
	s16 =	sshll.u32 @!p1 s16, $0xC;
	s14 =	ssub.s32 @!p1 s14, s15  }
0x24: {  	s15 =	sand.u32 @!p1 $0x1000, s16;
	s16 =	sadd.s32 @!p1 s6, s17;
	s14 =	sshll.u32 @!p1 s14, $0x4  }
0x25: {  	s17 =	simm.s32 @!p1 $0x1C00;
	s14 =	sadd.s32 @!p1 s14, s16;
	s16 =	simm.s32 @!p1 $0x20  }
0x26: {  	[tilespmem:s15], [sflag:$0x1] =	stream.strided.gather @!p1 [hbm4b:s14+s16], $0x1000, s17, s16, $0x38;
	[tilespmem:$0x4040] =	vst v63  }
0x27: {  	p1 =	sge.u32 s31, s5  }
.Ltmp2:
0x28: {  	_ = 	snop;
	(pc) =	sbr.rel @p1 .LBB1_5-.Ltmp2, $1  }
0x29: {  	_ =	sdelay $0x3  }
0x2a: {  	s14 =	simm.s32 $0x1  }
0x2b: {  	_ =	swait.ge [sflag:s4], $0x1000;
	s14 =	simm.s32 @!p0 $0x0  }
0x2c: {  	[sflag:s4] =	ssyncset.done $0x0;
	s15 =	sshll.u32 s14, $0xC  }
0x2d: {  	[sflag:s4] =	ssyncadd.s32 $0xFFFFF000;
	s18 =	sor.u32 $0x10, s15  }
0x2e: {  	s14 =	smul.u32 $0x4080, s14;
	v1 =	vld [tilespmem:s18+$0x0]  }
0x2f: {  	s30 =	sand.u32 $0x1, s11;
	v0 =	vld [tilespmem:s18+$0xFFFFFFF0]  }
0x30: {  	s15 =	smul.u32 $0x4080, s30;
	s14 =	sshrl.u32 s14, $0x2  }
0x31: {  	s16 =	sor.u32 $0x2000, s14  }
0x32: {  	s31 =	sshrl.u32 s15, $0x2;
	s15 =	sadd.s32 $0x0, s16  }
0x33: {  	s17 =	simm.s32 $0x4;
	s18 =	sadd.s32 $0x20, s18;
	s14 =	sor.u32 $0x2000, s31;
	[tilespmem:s15+$0x810 ss:$0x81] =	vst.msk $0xffff, v1  }
.LBB1_3:
0x34: {  	v1 =	vld [tilespmem:s18+$0x0];
	p1 =	sne.s32 s17, $0x1FC;
	[tilespmem:s15+$0x0 ss:$0x81] =	vst.msk $0xffff, v0;
	s15 =	smov.u32 s17;
	s17 =	sadd.s32 $0x4, s17  }
.Ltmp3:
0x35: {  	v0 =	vld [tilespmem:s18+$0xFFFFFFF0];
	(pc) =	sbr.rel @p1 .LBB1_3-.Ltmp3, $4  }
0x36: {  	_ = 	snop  }
0x37: {  	s15 =	sshra.s32 s15, $0x2  }
0x38: {  	s15 =	sadd.s32 s15, s16  }
0x39: {  	s18 =	sadd.s32 $0x20, s18;
	[tilespmem:s15+$0x810 ss:$0x81] =	vst.msk $0xffff, v1  }
.Ltmp4:
0x3a: {  	_ = 	snop;
	(pc) =	sbr.rel .LBB1_4-.Ltmp4, $1  }
0x3b: {  	_ =	sdelay $0x3  }
.LBB1_6:
0x3c: {  	_ =	sfence.sel $0x180000  }
0x3d: {  	s2 =	simm.s32 $0x1;
	[bflag:$0x0] =	sbarrier.arrive $0xFFFF  }
0x3e: {  	s31 =	simm.s32 $0x2;
	[sflag:s2] =	ssyncpa.u1 $0x1  }
0x3f: {  	[sflag:s31] =	ssyncpa.u1 $0x1  }
0x40: {  	p0 =	sne.s32 s0, $0x0;
	_ =	strace $0x9000004A  }
0x41: {  	s0 =	sadd.s32 @!p0 $0x100000, s1;
	[bflag:$0x2] =	sbarrier.arrive $0xFFFF  }
0x42: {  	[sflag:s0] =	ssyncadd.tile.s32 @!p0 $0x1;
	_ =	shalt  }
.Lfunc_end1:
_tile_overlayer_lowered:
.L_overlay_start_2:
0x43: {  	(tag) =	ssettag $0x2  }
0x44: {  	s0 =	rddreg [dreg:$0x0];
	s2 =	stileid.u32  }
0x45: {  	s1 =	rddreg [dreg:$0x1];
	p0 =	sne.s32 s2, $0x0  }
0x46: {  	s3 =	rddreg [dreg:$0x2];
	[bflag:$0x3] =	sbarrier.arrive $0xFFFF;
	s2 =	simm.s32 @!p0 $0x1C01  }
0x47: {  	[timem:s3], [sflag:s2] =	dma.local @!p0 [hbm:s0], s1  }
0x48: {  	s0 =	simm.s32 @!p0 $0x1  }
0x49: {  	_ =	swait.ge @!p0 [sflag:s0], s1  }
0x4a: {  	s1 =	ssub.s32 @!p0 $0x0, s1;
	[sflag:s0] =	ssyncset.done @!p0 $0x0  }
0x4b: {  	[sflag:s0] =	ssyncadd.s32 @!p0 s1  }
0x4c: {  	[bflag:$0x3] =	sbarrier.arrive $0xFFFF  }
0x4d: {  	_ =	shalt  }

</sc_bundles>
